<compile_context>
chip_gen: v7x
topology: tpu7x:2x2x1
jax: 0.10.2.dev20260603
libtpu: 0.0.44.dev20260713+nightly
codegen_flags: <defaults>
</compile_context>

<pallas_src>
import functools

import jax
import jax.numpy as jnp
from jax import lax
from jax.experimental import pallas as pl
from jax.experimental.pallas import tpu as pltpu
from jax.experimental.pallas import tpu_sc as plsc

N = 10000
E = 320000
D = 128
NC = 2
NS = 16
C = 128
NW = NC * NS
K = 80
KH = K // 2
E_PAD = NW * C * K
N_PAD = 10112
N_TRASH = N_PAD - N
ROWS_PER_TILE = N_PAD // NS


def _agg_body(h_hbm, src_hbm, dst_hbm, out_hbm,
              acc, src_v, dst_v, rows0, rows1, sem0, sem1):
    c = lax.axis_index("c")
    s = lax.axis_index("s")
    wid = c * NS + s

    r0 = s * ROWS_PER_TILE

    def zrow(i, _):
        for j in range(D // 16):
            rows0[i, pl.ds(j * 16, 16)] = jnp.zeros((16,), jnp.float32)
        return 0

    lax.fori_loop(0, C, zrow, 0)
    off = 0
    while off < ROWS_PER_TILE:
        sz = min(C, ROWS_PER_TILE - off)
        pltpu.sync_copy(rows0.at[pl.ds(0, sz)], acc.at[pl.ds(r0 + off, sz)])
        off += sz
    plsc.subcore_barrier()

    def step(i, _):
        j = 2 * i
        d0 = pltpu.async_copy(h_hbm.at[src_v.at[j]], rows0, sem0)
        d1 = pltpu.async_copy(h_hbm.at[src_v.at[j + 1]], rows1, sem1)
        d0.wait()
        pltpu.sync_copy(rows0, acc.at[dst_v.at[j]], add=True)
        d1.wait()
        pltpu.sync_copy(rows1, acc.at[dst_v.at[j + 1]], add=True)
        return 0

    for h in range(2):
        pltpu.sync_copy(src_hbm.at[wid, pl.ds(h * KH, KH)], src_v)
        pltpu.sync_copy(dst_hbm.at[wid, pl.ds(h * KH, KH)], dst_v)
        lax.fori_loop(0, KH // 2, step, 0)
    plsc.subcore_barrier()
    pltpu.sync_copy(acc.at[pl.ds(r0, ROWS_PER_TILE)],
                    out_hbm.at[c, pl.ds(r0, ROWS_PER_TILE)])


_agg = pl.kernel(
    _agg_body,
    out_type=jax.ShapeDtypeStruct((NC, N_PAD, D), jnp.float32),
    mesh=plsc.VectorSubcoreMesh(core_axis_name="c", subcore_axis_name="s"),
    scratch_types=[
        pltpu.VMEM_SHARED((N_PAD, D), jnp.float32),
        pltpu.VMEM((KH, C), jnp.int32),
        pltpu.VMEM((KH, C), jnp.int32),
        pltpu.VMEM((C, D), jnp.float32),
        pltpu.VMEM((C, D), jnp.float32),
        pltpu.SemaphoreType.DMA,
        pltpu.SemaphoreType.DMA,
    ],
)


def _mm_body(p_ref, w_ref, b_ref, o_ref, *, relu):
    su = p_ref[0] + p_ref[1]
    o = jnp.dot(su, w_ref[...], preferred_element_type=jnp.float32) + b_ref[...]
    if relu:
        o = jnp.maximum(o, 0.0)
    o_ref[...] = o


def _mm(partials, w, b, relu):
    BM = 1000
    return pl.pallas_call(
        functools.partial(_mm_body, relu=relu),
        grid=(N // BM,),
        in_specs=[
            pl.BlockSpec((NC, BM, D), lambda i: (0, i, 0)),
            pl.BlockSpec((D, D), lambda i: (0, 0)),
            pl.BlockSpec((1, D), lambda i: (0, 0)),
        ],
        out_specs=pl.BlockSpec((BM, D), lambda i: (i, 0)),
        out_shape=jax.ShapeDtypeStruct((N, D), jnp.float32),
    )(partials, w, b.reshape(1, D))


def kernel(x, adj, W1, b1, W2, b2):
    src = adj[0].astype(jnp.int32)
    dst = adj[1].astype(jnp.int32)
    npad = E_PAD - E
    pad_src = jnp.arange(npad, dtype=jnp.int32) % N
    pad_dst = N + jnp.arange(npad, dtype=jnp.int32) % N_TRASH
    src_p = jnp.concatenate([src, pad_src]).reshape(NW, K, C)
    dst_p = jnp.concatenate([dst, pad_dst]).reshape(NW, K, C)

    p1 = _agg(x, src_p, dst_p)
    h1 = _mm(p1, W1, b1, relu=True)
    p2 = _agg(h1, src_p, dst_p)
    return _mm(p2, W2, b2, relu=False)

# --- scband reference (transcript-rebuilt; emitter-appended) ---
"""Pipeline reference for scband-base-gnn-31044023616097 (READ-ONLY COPY).

The authoritative reference and input builder live on the scoring server;
editing this copy changes nothing except your own understanding.
"""

import jax, jax.numpy as jnp
import numpy as np

N_NODES = 10000
N_EDGES = 320000
D = 128

def setup_inputs(seed: int = 0) -> dict:
    key = jax.random.key(seed)
    k1, k2, k3, k4, k5, k6 = jax.random.split(key, 6)
    x = jax.random.normal(k1, (N_NODES, D), dtype=jnp.float32)
    adj = jax.random.randint(k2, (2, N_EDGES), 0, N_NODES, dtype=jnp.int64)
    # GCNConv linear weights (glorot-style init) and biases for 2 layers
    scale = (6.0 / (D + D)) ** 0.5
    W1 = jax.random.uniform(k3, (D, D), dtype=jnp.float32, minval=-scale, maxval=scale)
    b1 = jnp.zeros((D,), dtype=jnp.float32)
    W2 = jax.random.uniform(k4, (D, D), dtype=jnp.float32, minval=-scale, maxval=scale)
    b2 = jnp.zeros((D,), dtype=jnp.float32)
    return {"x": x, "adj": adj, "W1": W1, "b1": b1, "W2": W2, "b2": b2}

def _gcn_conv(h, src, dst, W, b):
    # PyG GCNConv with normalize=False, no edge weights:
    # h' = scatter_add(h[src] @ W -> dst) + b
    h = h @ W
    msgs = jnp.take(h, src, axis=0)
    out = jax.ops.segment_sum(msgs, dst, num_segments=N_NODES)
    return out + b

def reference(x, adj, W1, b1, W2, b2):
    src = adj[0]
    dst = adj[1]
    h = _gcn_conv(x, src, dst, W1, b1)
    h = jax.nn.relu(h)
    # dropout is a no-op in eval mode
    h = _gcn_conv(h, src, dst, W2, b2)
    return h

if __name__ == "__main__":
    import jax
    _d = setup_inputs()
    print(jax.jit(kernel)(*tuple(_d.values())))

</pallas_src>

<mosaic_0001>
#map = affine_map<(d0, d1) -> (0, 0)>
#map1 = affine_map<(d0, d1) -> (0, 0, 0)>
module attributes {stable_mosaic.version = 14 : i64} {
  func.func @_agg_body(%arg0: i32, %arg1: i32, %arg2: memref<10000x128xf32, #tpu.memory_space<hbm>>, %arg3: memref<32x80x128xi32, #tpu.memory_space<hbm>>, %arg4: memref<32x80x128xi32, #tpu.memory_space<hbm>>, %arg5: memref<2x10112x128xf32, #tpu.memory_space<hbm>>, %arg6: memref<10112x128xf32, #tpu.memory_space<vmem_shared>>, %arg7: memref<40x128xi32, #tpu.memory_space<vmem>>, %arg8: memref<40x128xi32, #tpu.memory_space<vmem>>, %arg9: memref<128x128xf32, #tpu.memory_space<vmem>>, %arg10: memref<128x128xf32, #tpu.memory_space<vmem>>, %arg11: memref<!tpu.dma_semaphore, #tpu.memory_space<semaphore_mem>>, %arg12: memref<!tpu.dma_semaphore, #tpu.memory_space<semaphore_mem>>) attributes {dimension_semantics = [#tpu.dimension_semantics<core_parallel>, #tpu.dimension_semantics<subcore_parallel>], iteration_bounds = array<i64: 2, 16>, scalar_prefetch = 0 : i64, scratch_operands = 7 : i64, tpu.core_type = #tpu.core_type<sc_vector_subcore>, window_params = [{transform_indices = #map}, {transform_indices = #map1}, {transform_indices = #map1}, {transform_indices = #map1}]} {
    %mul3A = arith.constant 16 : i32
    %mul3A_0 = arith.muli %arg0, %mul3A : i32
    %add3A = arith.addi %mul3A_0, %arg1 : i32
    %mul3A_1 = arith.constant 632 : i32
    %mul3A_2 = arith.muli %arg1, %mul3A_1 : i32
    %scan3A = arith.constant 0 : i32
    %scan3A_3 = arith.constant 0 : i32
    %scan3A_4 = arith.constant 128 : i32
    %scan3A_5 = arith.addi %scan3A_3, %scan3A_4 : i32
    %scan3A_6 = arith.constant 1 : i32
    %scan3A_7 = scf.for %scan3A_34 = %scan3A_3 to %scan3A_5 step %scan3A_6 iter_args(%scan3A_35 = %scan3A) -> (i32)  : i32 {
      %broadcast_in_dim3A = arith.constant 0.000000e+00 : f32
      %broadcast_in_dim3A_36 = vector.broadcast %broadcast_in_dim3A : f32 to vector<16xf32>
      %swap3A = arith.index_cast %scan3A_34 : i32 to index
      %swap3A_37 = arith.constant 0 : index
      %swap3A_38 = tpu.vector_load %arg9[%swap3A, %swap3A_37] {strides = array<i32>} : memref<128x128xf32, #tpu.memory_space<vmem>>, vector<1x16xf32>,
      %swap3A_39 = vector.shape_cast %swap3A_38 : vector<1x16xf32> to vector<16xf32>
      %swap3A_40 = vector.shape_cast %broadcast_in_dim3A_36 : vector<16xf32> to vector<1x16xf32>
      tpu.vector_store %arg9[%swap3A, %swap3A_37], %swap3A_40 {strides = array<i32>} : memref<128x128xf32, #tpu.memory_space<vmem>>, vector<1x16xf32>,
      %broadcast_in_dim3A_41 = arith.constant 0.000000e+00 : f32
      %broadcast_in_dim3A_42 = vector.broadcast %broadcast_in_dim3A_41 : f32 to vector<16xf32>
      %swap3A_43 = arith.index_cast %scan3A_34 : i32 to index
      %swap3A_44 = arith.constant 16 : index
      %swap3A_45 = tpu.vector_load %arg9[%swap3A_43, %swap3A_44] {strides = array<i32>} : memref<128x128xf32, #tpu.memory_space<vmem>>, vector<1x16xf32>,
      %swap3A_46 = vector.shape_cast %swap3A_45 : vector<1x16xf32> to vector<16xf32>
      %swap3A_47 = vector.shape_cast %broadcast_in_dim3A_42 : vector<16xf32> to vector<1x16xf32>
      tpu.vector_store %arg9[%swap3A_43, %swap3A_44], %swap3A_47 {strides = array<i32>} : memref<128x128xf32, #tpu.memory_space<vmem>>, vector<1x16xf32>,
      %broadcast_in_dim3A_48 = arith.constant 0.000000e+00 : f32
      %broadcast_in_dim3A_49 = vector.broadcast %broadcast_in_dim3A_48 : f32 to vector<16xf32>
      %swap3A_50 = arith.index_cast %scan3A_34 : i32 to index
      %swap3A_51 = arith.constant 32 : index
      %swap3A_52 = tpu.vector_load %arg9[%swap3A_50, %swap3A_51] {strides = array<i32>} : memref<128x128xf32, #tpu.memory_space<vmem>>, vector<1x16xf32>,
      %swap3A_53 = vector.shape_cast %swap3A_52 : vector<1x16xf32> to vector<16xf32>
      %swap3A_54 = vector.shape_cast %broadcast_in_dim3A_49 : vector<16xf32> to vector<1x16xf32>
      tpu.vector_store %arg9[%swap3A_50, %swap3A_51], %swap3A_54 {strides = array<i32>} : memref<128x128xf32, #tpu.memory_space<vmem>>, vector<1x16xf32>,
      %broadcast_in_dim3A_55 = arith.constant 0.000000e+00 : f32
      %broadcast_in_dim3A_56 = vector.broadcast %broadcast_in_dim3A_55 : f32 to vector<16xf32>
      %swap3A_57 = arith.index_cast %scan3A_34 : i32 to index
      %swap3A_58 = arith.constant 48 : index
      %swap3A_59 = tpu.vector_load %arg9[%swap3A_57, %swap3A_58] {strides = array<i32>} : memref<128x128xf32, #tpu.memory_space<vmem>>, vector<1x16xf32>,
      %swap3A_60 = vector.shape_cast %swap3A_59 : vector<1x16xf32> to vector<16xf32>
      %swap3A_61 = vector.shape_cast %broadcast_in_dim3A_56 : vector<16xf32> to vector<1x16xf32>
      tpu.vector_store %arg9[%swap3A_57, %swap3A_58], %swap3A_61 {strides = array<i32>} : memref<128x128xf32, #tpu.memory_space<vmem>>, vector<1x16xf32>,
      %broadcast_in_dim3A_62 = arith.constant 0.000000e+00 : f32
      %broadcast_in_dim3A_63 = vector.broadcast %broadcast_in_dim3A_62 : f32 to vector<16xf32>
      %swap3A_64 = arith.index_cast %scan3A_34 : i32 to index
      %swap3A_65 = arith.constant 64 : index
      %swap3A_66 = tpu.vector_load %arg9[%swap3A_64, %swap3A_65] {strides = array<i32>} : memref<128x128xf32, #tpu.memory_space<vmem>>, vector<1x16xf32>,
      %swap3A_67 = vector.shape_cast %swap3A_66 : vector<1x16xf32> to vector<16xf32>
      %swap3A_68 = vector.shape_cast %broadcast_in_dim3A_63 : vector<16xf32> to vector<1x16xf32>
      tpu.vector_store %arg9[%swap3A_64, %swap3A_65], %swap3A_68 {strides = array<i32>} : memref<128x128xf32, #tpu.memory_space<vmem>>, vector<1x16xf32>,
      %broadcast_in_dim3A_69 = arith.constant 0.000000e+00 : f32
      %broadcast_in_dim3A_70 = vector.broadcast %broadcast_in_dim3A_69 : f32 to vector<16xf32>
      %swap3A_71 = arith.index_cast %scan3A_34 : i32 to index
      %swap3A_72 = arith.constant 80 : index
      %swap3A_73 = tpu.vector_load %arg9[%swap3A_71, %swap3A_72] {strides = array<i32>} : memref<128x128xf32, #tpu.memory_space<vmem>>, vector<1x16xf32>,
      %swap3A_74 = vector.shape_cast %swap3A_73 : vector<1x16xf32> to vector<16xf32>
      %swap3A_75 = vector.shape_cast %broadcast_in_dim3A_70 : vector<16xf32> to vector<1x16xf32>
      tpu.vector_store %arg9[%swap3A_71, %swap3A_72], %swap3A_75 {strides = array<i32>} : memref<128x128xf32, #tpu.memory_space<vmem>>, vector<1x16xf32>,
      %broadcast_in_dim3A_76 = arith.constant 0.000000e+00 : f32
      %broadcast_in_dim3A_77 = vector.broadcast %broadcast_in_dim3A_76 : f32 to vector<16xf32>
      %swap3A_78 = arith.index_cast %scan3A_34 : i32 to index
      %swap3A_79 = arith.constant 96 : index
      %swap3A_80 = tpu.vector_load %arg9[%swap3A_78, %swap3A_79] {strides = array<i32>} : memref<128x128xf32, #tpu.memory_space<vmem>>, vector<1x16xf32>,
      %swap3A_81 = vector.shape_cast %swap3A_80 : vector<1x16xf32> to vector<16xf32>
      %swap3A_82 = vector.shape_cast %broadcast_in_dim3A_77 : vector<16xf32> to vector<1x16xf32>
      tpu.vector_store %arg9[%swap3A_78, %swap3A_79], %swap3A_82 {strides = array<i32>} : memref<128x128xf32, #tpu.memory_space<vmem>>, vector<1x16xf32>,
      %broadcast_in_dim3A_83 = arith.constant 0.000000e+00 : f32
      %broadcast_in_dim3A_84 = vector.broadcast %broadcast_in_dim3A_83 : f32 to vector<16xf32>
      %swap3A_85 = arith.index_cast %scan3A_34 : i32 to index
      %swap3A_86 = arith.constant 112 : index
      %swap3A_87 = tpu.vector_load %arg9[%swap3A_85, %swap3A_86] {strides = array<i32>} : memref<128x128xf32, #tpu.memory_space<vmem>>, vector<1x16xf32>,
      %swap3A_88 = vector.shape_cast %swap3A_87 : vector<1x16xf32> to vector<16xf32>
      %swap3A_89 = vector.shape_cast %broadcast_in_dim3A_84 : vector<16xf32> to vector<1x16xf32>
      tpu.vector_store %arg9[%swap3A_85, %swap3A_86], %swap3A_89 {strides = array<i32>} : memref<128x128xf32, #tpu.memory_space<vmem>>, vector<1x16xf32>,
      %scan3A_90 = arith.constant 0 : i32
      scf.yield %scan3A_90 : i32
    }
    %scan3A_8 = arith.constant 128 : i32
    %add3A_9 = arith.constant 0 : i32
    %add3A_10 = arith.addi %mul3A_2, %add3A_9 : i32
    "tpu.region"() ({
      %run_scoped3A = tpu.sem_alloc : memref<!tpu.dma_semaphore, #tpu.memory_space<semaphore_mem>>
      %dma_start3A = arith.constant 0 : i32
      %dma_start3A_34 = arith.constant 0 : i32
      %dma_start3A_35 = tpu.memref_slice %arg9[%dma_start3A, %dma_start3A_34] : memref<128x128xf32, #tpu.memory_space<vmem>> -> memref<128x128xf32, #tpu.memory_space<vmem>>
      %dma_start3A_36 = arith.constant 0 : i32
      %dma_start3A_37 = tpu.memref_slice %arg6[%add3A_10, %dma_start3A_36] : memref<10112x128xf32, #tpu.memory_space<vmem_shared>> -> memref<128x128xf32, #tpu.memory_space<vmem_shared>>
      %dma_start3A_38 = arith.constant 0 : i32
      %dma_start3A_39 = tpu.memref_slice %arg6[%add3A_10, %dma_start3A_38] : memref<10112x128xf32, #tpu.memory_space<vmem_shared>> -> memref<128x128xf32, #tpu.memory_space<vmem_shared>>
      %dma_start3A_40 = arith.constant 0 : i32
      %dma_start3A_41 = arith.constant 0 : i32
      %dma_start3A_42 = tpu.memref_slice %arg9[%dma_start3A_40, %dma_start3A_41] : memref<128x128xf32, #tpu.memory_space<vmem>> -> memref<128x128xf32, #tpu.memory_space<vmem>>
      tpu.enqueue_dma source(%dma_start3A_42 : memref<128x128xf32, #tpu.memory_space<vmem>>) target(%dma_start3A_39 : memref<128x128xf32, #tpu.memory_space<vmem_shared>>) target_semaphore(%run_scoped3A : memref<!tpu.dma_semaphore, #tpu.memory_space<semaphore_mem>>)
      %dma_wait3A = arith.constant 0 : i32
      %dma_wait3A_43 = arith.constant 0 : i32
      %dma_wait3A_44 = tpu.memref_slice %arg9[%dma_wait3A, %dma_wait3A_43] : memref<128x128xf32, #tpu.memory_space<vmem>> -> memref<128x128xf32, #tpu.memory_space<vmem>>
      %dma_wait3A_45 = arith.constant 0 : i32
      %dma_wait3A_46 = tpu.memref_slice %arg6[%add3A_10, %dma_wait3A_45] : memref<10112x128xf32, #tpu.memory_space<vmem_shared>> -> memref<128x128xf32, #tpu.memory_space<vmem_shared>>
      %dma_wait3A_47 = arith.constant 0 : i32
      %dma_wait3A_48 = tpu.memref_slice %arg6[%add3A_10, %dma_wait3A_47] : memref<10112x128xf32, #tpu.memory_space<vmem_shared>> -> memref<128x128xf32, #tpu.memory_space<vmem_shared>>
      %dma_wait3A_49 = arith.constant 0 : i32
      %dma_wait3A_50 = arith.constant 0 : i32
      %dma_wait3A_51 = tpu.memref_slice %arg9[%dma_wait3A_49, %dma_wait3A_50] : memref<128x128xf32, #tpu.memory_space<vmem>> -> memref<128x128xf32, #tpu.memory_space<vmem>>
      tpu.wait_dma2 semaphore(%run_scoped3A : memref<!tpu.dma_semaphore, #tpu.memory_space<semaphore_mem>>) src(%dma_wait3A_51 : memref<128x128xf32, #tpu.memory_space<vmem>>) dst(%dma_wait3A_48 : memref<128x128xf32, #tpu.memory_space<vmem_shared>>)
      tpu.yield
    }) : () -> ()
    %add3A_11 = arith.constant 128 : i32
    %add3A_12 = arith.addi %mul3A_2, %add3A_11 : i32
    "tpu.region"() ({
      %run_scoped3A = tpu.sem_alloc : memref<!tpu.dma_semaphore, #tpu.memory_space<semaphore_mem>>
      %dma_start3A = arith.constant 0 : i32
      %dma_start3A_34 = arith.constant 0 : i32
      %dma_start3A_35 = tpu.memref_slice %arg9[%dma_start3A, %dma_start3A_34] : memref<128x128xf32, #tpu.memory_space<vmem>> -> memref<128x128xf32, #tpu.memory_space<vmem>>
      %dma_start3A_36 = arith.constant 0 : i32
      %dma_start3A_37 = tpu.memref_slice %arg6[%add3A_12, %dma_start3A_36] : memref<10112x128xf32, #tpu.memory_space<vmem_shared>> -> memref<128x128xf32, #tpu.memory_space<vmem_shared>>
      %dma_start3A_38 = arith.constant 0 : i32
      %dma_start3A_39 = tpu.memref_slice %arg6[%add3A_12, %dma_start3A_38] : memref<10112x128xf32, #tpu.memory_space<vmem_shared>> -> memref<128x128xf32, #tpu.memory_space<vmem_shared>>
      %dma_start3A_40 = arith.constant 0 : i32
      %dma_start3A_41 = arith.constant 0 : i32
      %dma_start3A_42 = tpu.memref_slice %arg9[%dma_start3A_40, %dma_start3A_41] : memref<128x128xf32, #tpu.memory_space<vmem>> -> memref<128x128xf32, #tpu.memory_space<vmem>>
      tpu.enqueue_dma source(%dma_start3A_42 : memref<128x128xf32, #tpu.memory_space<vmem>>) target(%dma_start3A_39 : memref<128x128xf32, #tpu.memory_space<vmem_shared>>) target_semaphore(%run_scoped3A : memref<!tpu.dma_semaphore, #tpu.memory_space<semaphore_mem>>)
      %dma_wait3A = arith.constant 0 : i32
      %dma_wait3A_43 = arith.constant 0 : i32
      %dma_wait3A_44 = tpu.memref_slice %arg9[%dma_wait3A, %dma_wait3A_43] : memref<128x128xf32, #tpu.memory_space<vmem>> -> memref<128x128xf32, #tpu.memory_space<vmem>>
      %dma_wait3A_45 = arith.constant 0 : i32
      %dma_wait3A_46 = tpu.memref_slice %arg6[%add3A_12, %dma_wait3A_45] : memref<10112x128xf32, #tpu.memory_space<vmem_shared>> -> memref<128x128xf32, #tpu.memory_space<vmem_shared>>
      %dma_wait3A_47 = arith.constant 0 : i32
      %dma_wait3A_48 = tpu.memref_slice %arg6[%add3A_12, %dma_wait3A_47] : memref<10112x128xf32, #tpu.memory_space<vmem_shared>> -> memref<128x128xf32, #tpu.memory_space<vmem_shared>>
      %dma_wait3A_49 = arith.constant 0 : i32
      %dma_wait3A_50 = arith.constant 0 : i32
      %dma_wait3A_51 = tpu.memref_slice %arg9[%dma_wait3A_49, %dma_wait3A_50] : memref<128x128xf32, #tpu.memory_space<vmem>> -> memref<128x128xf32, #tpu.memory_space<vmem>>
      tpu.wait_dma2 semaphore(%run_scoped3A : memref<!tpu.dma_semaphore, #tpu.memory_space<semaphore_mem>>) src(%dma_wait3A_51 : memref<128x128xf32, #tpu.memory_space<vmem>>) dst(%dma_wait3A_48 : memref<128x128xf32, #tpu.memory_space<vmem_shared>>)
      tpu.yield
    }) : () -> ()
    %add3A_13 = arith.constant 256 : i32
    %add3A_14 = arith.addi %mul3A_2, %add3A_13 : i32
    "tpu.region"() ({
      %run_scoped3A = tpu.sem_alloc : memref<!tpu.dma_semaphore, #tpu.memory_space<semaphore_mem>>
      %dma_start3A = arith.constant 0 : i32
      %dma_start3A_34 = arith.constant 0 : i32
      %dma_start3A_35 = tpu.memref_slice %arg9[%dma_start3A, %dma_start3A_34] : memref<128x128xf32, #tpu.memory_space<vmem>> -> memref<128x128xf32, #tpu.memory_space<vmem>>
      %dma_start3A_36 = arith.constant 0 : i32
      %dma_start3A_37 = tpu.memref_slice %arg6[%add3A_14, %dma_start3A_36] : memref<10112x128xf32, #tpu.memory_space<vmem_shared>> -> memref<128x128xf32, #tpu.memory_space<vmem_shared>>
      %dma_start3A_38 = arith.constant 0 : i32
      %dma_start3A_39 = tpu.memref_slice %arg6[%add3A_14, %dma_start3A_38] : memref<10112x128xf32, #tpu.memory_space<vmem_shared>> -> memref<128x128xf32, #tpu.memory_space<vmem_shared>>
      %dma_start3A_40 = arith.constant 0 : i32
      %dma_start3A_41 = arith.constant 0 : i32
      %dma_start3A_42 = tpu.memref_slice %arg9[%dma_start3A_40, %dma_start3A_41] : memref<128x128xf32, #tpu.memory_space<vmem>> -> memref<128x128xf32, #tpu.memory_space<vmem>>
      tpu.enqueue_dma source(%dma_start3A_42 : memref<128x128xf32, #tpu.memory_space<vmem>>) target(%dma_start3A_39 : memref<128x128xf32, #tpu.memory_space<vmem_shared>>) target_semaphore(%run_scoped3A : memref<!tpu.dma_semaphore, #tpu.memory_space<semaphore_mem>>)
      %dma_wait3A = arith.constant 0 : i32
      %dma_wait3A_43 = arith.constant 0 : i32
      %dma_wait3A_44 = tpu.memref_slice %arg9[%dma_wait3A, %dma_wait3A_43] : memref<128x128xf32, #tpu.memory_space<vmem>> -> memref<128x128xf32, #tpu.memory_space<vmem>>
      %dma_wait3A_45 = arith.constant 0 : i32
      %dma_wait3A_46 = tpu.memref_slice %arg6[%add3A_14, %dma_wait3A_45] : memref<10112x128xf32, #tpu.memory_space<vmem_shared>> -> memref<128x128xf32, #tpu.memory_space<vmem_shared>>
      %dma_wait3A_47 = arith.constant 0 : i32
      %dma_wait3A_48 = tpu.memref_slice %arg6[%add3A_14, %dma_wait3A_47] : memref<10112x128xf32, #tpu.memory_space<vmem_shared>> -> memref<128x128xf32, #tpu.memory_space<vmem_shared>>
      %dma_wait3A_49 = arith.constant 0 : i32
      %dma_wait3A_50 = arith.constant 0 : i32
      %dma_wait3A_51 = tpu.memref_slice %arg9[%dma_wait3A_49, %dma_wait3A_50] : memref<128x128xf32, #tpu.memory_space<vmem>> -> memref<128x128xf32, #tpu.memory_space<vmem>>
      tpu.wait_dma2 semaphore(%run_scoped3A : memref<!tpu.dma_semaphore, #tpu.memory_space<semaphore_mem>>) src(%dma_wait3A_51 : memref<128x128xf32, #tpu.memory_space<vmem>>) dst(%dma_wait3A_48 : memref<128x128xf32, #tpu.memory_space<vmem_shared>>)
      tpu.yield
    }) : () -> ()
    %add3A_15 = arith.constant 384 : i32
    %add3A_16 = arith.addi %mul3A_2, %add3A_15 : i32
    "tpu.region"() ({
      %run_scoped3A = tpu.sem_alloc : memref<!tpu.dma_semaphore, #tpu.memory_space<semaphore_mem>>
      %dma_start3A = arith.constant 0 : i32
      %dma_start3A_34 = arith.constant 0 : i32
      %dma_start3A_35 = tpu.memref_slice %arg9[%dma_start3A, %dma_start3A_34] : memref<128x128xf32, #tpu.memory_space<vmem>> -> memref<128x128xf32, #tpu.memory_space<vmem>>
      %dma_start3A_36 = arith.constant 0 : i32
      %dma_start3A_37 = tpu.memref_slice %arg6[%add3A_16, %dma_start3A_36] : memref<10112x128xf32, #tpu.memory_space<vmem_shared>> -> memref<128x128xf32, #tpu.memory_space<vmem_shared>>
      %dma_start3A_38 = arith.constant 0 : i32
      %dma_start3A_39 = tpu.memref_slice %arg6[%add3A_16, %dma_start3A_38] : memref<10112x128xf32, #tpu.memory_space<vmem_shared>> -> memref<128x128xf32, #tpu.memory_space<vmem_shared>>
      %dma_start3A_40 = arith.constant 0 : i32
      %dma_start3A_41 = arith.constant 0 : i32
      %dma_start3A_42 = tpu.memref_slice %arg9[%dma_start3A_40, %dma_start3A_41] : memref<128x128xf32, #tpu.memory_space<vmem>> -> memref<128x128xf32, #tpu.memory_space<vmem>>
      tpu.enqueue_dma source(%dma_start3A_42 : memref<128x128xf32, #tpu.memory_space<vmem>>) target(%dma_start3A_39 : memref<128x128xf32, #tpu.memory_space<vmem_shared>>) target_semaphore(%run_scoped3A : memref<!tpu.dma_semaphore, #tpu.memory_space<semaphore_mem>>)
      %dma_wait3A = arith.constant 0 : i32
      %dma_wait3A_43 = arith.constant 0 : i32
      %dma_wait3A_44 = tpu.memref_slice %arg9[%dma_wait3A, %dma_wait3A_43] : memref<128x128xf32, #tpu.memory_space<vmem>> -> memref<128x128xf32, #tpu.memory_space<vmem>>
      %dma_wait3A_45 = arith.constant 0 : i32
      %dma_wait3A_46 = tpu.memref_slice %arg6[%add3A_16, %dma_wait3A_45] : memref<10112x128xf32, #tpu.memory_space<vmem_shared>> -> memref<128x128xf32, #tpu.memory_space<vmem_shared>>
      %dma_wait3A_47 = arith.constant 0 : i32
      %dma_wait3A_48 = tpu.memref_slice %arg6[%add3A_16, %dma_wait3A_47] : memref<10112x128xf32, #tpu.memory_space<vmem_shared>> -> memref<128x128xf32, #tpu.memory_space<vmem_shared>>
      %dma_wait3A_49 = arith.constant 0 : i32
      %dma_wait3A_50 = arith.constant 0 : i32
      %dma_wait3A_51 = tpu.memref_slice %arg9[%dma_wait3A_49, %dma_wait3A_50] : memref<128x128xf32, #tpu.memory_space<vmem>> -> memref<128x128xf32, #tpu.memory_space<vmem>>
      tpu.wait_dma2 semaphore(%run_scoped3A : memref<!tpu.dma_semaphore, #tpu.memory_space<semaphore_mem>>) src(%dma_wait3A_51 : memref<128x128xf32, #tpu.memory_space<vmem>>) dst(%dma_wait3A_48 : memref<128x128xf32, #tpu.memory_space<vmem_shared>>)
      tpu.yield
    }) : () -> ()
    %add3A_17 = arith.constant 512 : i32
    %add3A_18 = arith.addi %mul3A_2, %add3A_17 : i32
    "tpu.region"() ({
      %run_scoped3A = tpu.sem_alloc : memref<!tpu.dma_semaphore, #tpu.memory_space<semaphore_mem>>
      %dma_start3A = arith.constant 0 : i32
      %dma_start3A_34 = arith.constant 0 : i32
      %dma_start3A_35 = tpu.memref_slice %arg9[%dma_start3A, %dma_start3A_34] : memref<128x128xf32, #tpu.memory_space<vmem>> -> memref<120x128xf32, #tpu.memory_space<vmem>>
      %dma_start3A_36 = arith.constant 0 : i32
      %dma_start3A_37 = tpu.memref_slice %arg6[%add3A_18, %dma_start3A_36] : memref<10112x128xf32, #tpu.memory_space<vmem_shared>> -> memref<120x128xf32, #tpu.memory_space<vmem_shared>>
      %dma_start3A_38 = arith.constant 0 : i32
      %dma_start3A_39 = tpu.memref_slice %arg6[%add3A_18, %dma_start3A_38] : memref<10112x128xf32, #tpu.memory_space<vmem_shared>> -> memref<120x128xf32, #tpu.memory_space<vmem_shared>>
      %dma_start3A_40 = arith.constant 0 : i32
      %dma_start3A_41 = arith.constant 0 : i32
      %dma_start3A_42 = tpu.memref_slice %arg9[%dma_start3A_40, %dma_start3A_41] : memref<128x128xf32, #tpu.memory_space<vmem>> -> memref<120x128xf32, #tpu.memory_space<vmem>>
      tpu.enqueue_dma source(%dma_start3A_42 : memref<120x128xf32, #tpu.memory_space<vmem>>) target(%dma_start3A_39 : memref<120x128xf32, #tpu.memory_space<vmem_shared>>) target_semaphore(%run_scoped3A : memref<!tpu.dma_semaphore, #tpu.memory_space<semaphore_mem>>)
      %dma_wait3A = arith.constant 0 : i32
      %dma_wait3A_43 = arith.constant 0 : i32
      %dma_wait3A_44 = tpu.memref_slice %arg9[%dma_wait3A, %dma_wait3A_43] : memref<128x128xf32, #tpu.memory_space<vmem>> -> memref<120x128xf32, #tpu.memory_space<vmem>>
      %dma_wait3A_45 = arith.constant 0 : i32
      %dma_wait3A_46 = tpu.memref_slice %arg6[%add3A_18, %dma_wait3A_45] : memref<10112x128xf32, #tpu.memory_space<vmem_shared>> -> memref<120x128xf32, #tpu.memory_space<vmem_shared>>
      %dma_wait3A_47 = arith.constant 0 : i32
      %dma_wait3A_48 = tpu.memref_slice %arg6[%add3A_18, %dma_wait3A_47] : memref<10112x128xf32, #tpu.memory_space<vmem_shared>> -> memref<120x128xf32, #tpu.memory_space<vmem_shared>>
      %dma_wait3A_49 = arith.constant 0 : i32
      %dma_wait3A_50 = arith.constant 0 : i32
      %dma_wait3A_51 = tpu.memref_slice %arg9[%dma_wait3A_49, %dma_wait3A_50] : memref<128x128xf32, #tpu.memory_space<vmem>> -> memref<120x128xf32, #tpu.memory_space<vmem>>
      tpu.wait_dma2 semaphore(%run_scoped3A : memref<!tpu.dma_semaphore, #tpu.memory_space<semaphore_mem>>) src(%dma_wait3A_51 : memref<120x128xf32, #tpu.memory_space<vmem>>) dst(%dma_wait3A_48 : memref<120x128xf32, #tpu.memory_space<vmem_shared>>)
      tpu.yield
    }) : () -> ()
    %barrier3A = arith.constant 0 : index
    tpu.barrier barrier_id(%barrier3A)
    "tpu.region"() ({
      %run_scoped3A = tpu.sem_alloc : memref<!tpu.dma_semaphore, #tpu.memory_space<semaphore_mem>>
      %dma_start3A = arith.constant 0 : i32
      %dma_start3A_34 = arith.constant 0 : i32
      %dma_start3A_35 = tpu.memref_slice %arg3[%add3A, %dma_start3A, %dma_start3A_34] : memref<32x80x128xi32, #tpu.memory_space<hbm>> -> memref<1x40x128xi32, #tpu.memory_space<hbm>>
      %dma_start3A_36 = tpu.memref_squeeze %dma_start3A_35 : memref<1x40x128xi32, #tpu.memory_space<hbm>> -> memref<40x128xi32, #tpu.memory_space<hbm>>
      %dma_start3A_37 = arith.constant 0 : i32
      %dma_start3A_38 = arith.constant 0 : i32
      %dma_start3A_39 = tpu.memref_slice %arg3[%add3A, %dma_start3A_37, %dma_start3A_38] : memref<32x80x128xi32, #tpu.memory_space<hbm>> -> memref<1x40x128xi32, #tpu.memory_space<hbm>>
      %dma_start3A_40 = tpu.memref_squeeze %dma_start3A_39 : memref<1x40x128xi32, #tpu.memory_space<hbm>> -> memref<40x128xi32, #tpu.memory_space<hbm>>
      tpu.enqueue_dma source(%dma_start3A_40 : memref<40x128xi32, #tpu.memory_space<hbm>>) target(%arg7 : memref<40x128xi32, #tpu.memory_space<vmem>>) target_semaphore(%run_scoped3A : memref<!tpu.dma_semaphore, #tpu.memory_space<semaphore_mem>>)
      %dma_wait3A = arith.constant 0 : i32
      %dma_wait3A_41 = arith.constant 0 : i32
      %dma_wait3A_42 = tpu.memref_slice %arg3[%add3A, %dma_wait3A, %dma_wait3A_41] : memref<32x80x128xi32, #tpu.memory_space<hbm>> -> memref<1x40x128xi32, #tpu.memory_space<hbm>>
      %dma_wait3A_43 = tpu.memref_squeeze %dma_wait3A_42 : memref<1x40x128xi32, #tpu.memory_space<hbm>> -> memref<40x128xi32, #tpu.memory_space<hbm>>
      %dma_wait3A_44 = arith.constant 0 : i32
      %dma_wait3A_45 = arith.constant 0 : i32
      %dma_wait3A_46 = tpu.memref_slice %arg3[%add3A, %dma_wait3A_44, %dma_wait3A_45] : memref<32x80x128xi32, #tpu.memory_space<hbm>> -> memref<1x40x128xi32, #tpu.memory_space<hbm>>
      %dma_wait3A_47 = tpu.memref_squeeze %dma_wait3A_46 : memref<1x40x128xi32, #tpu.memory_space<hbm>> -> memref<40x128xi32, #tpu.memory_space<hbm>>
      tpu.wait_dma2 semaphore(%run_scoped3A : memref<!tpu.dma_semaphore, #tpu.memory_space<semaphore_mem>>) src(%dma_wait3A_47 : memref<40x128xi32, #tpu.memory_space<hbm>>) dst(%arg7 : memref<40x128xi32, #tpu.memory_space<vmem>>)
      tpu.yield
    }) : () -> ()
    "tpu.region"() ({
      %run_scoped3A = tpu.sem_alloc : memref<!tpu.dma_semaphore, #tpu.memory_space<semaphore_mem>>
      %dma_start3A = arith.constant 0 : i32
      %dma_start3A_34 = arith.constant 0 : i32
      %dma_start3A_35 = tpu.memref_slice %arg4[%add3A, %dma_start3A, %dma_start3A_34] : memref<32x80x128xi32, #tpu.memory_space<hbm>> -> memref<1x40x128xi32, #tpu.memory_space<hbm>>
      %dma_start3A_36 = tpu.memref_squeeze %dma_start3A_35 : memref<1x40x128xi32, #tpu.memory_space<hbm>> -> memref<40x128xi32, #tpu.memory_space<hbm>>
      %dma_start3A_37 = arith.constant 0 : i32
      %dma_start3A_38 = arith.constant 0 : i32
      %dma_start3A_39 = tpu.memref_slice %arg4[%add3A, %dma_start3A_37, %dma_start3A_38] : memref<32x80x128xi32, #tpu.memory_space<hbm>> -> memref<1x40x128xi32, #tpu.memory_space<hbm>>
      %dma_start3A_40 = tpu.memref_squeeze %dma_start3A_39 : memref<1x40x128xi32, #tpu.memory_space<hbm>> -> memref<40x128xi32, #tpu.memory_space<hbm>>
      tpu.enqueue_dma source(%dma_start3A_40 : memref<40x128xi32, #tpu.memory_space<hbm>>) target(%arg8 : memref<40x128xi32, #tpu.memory_space<vmem>>) target_semaphore(%run_scoped3A : memref<!tpu.dma_semaphore, #tpu.memory_space<semaphore_mem>>)
      %dma_wait3A = arith.constant 0 : i32
      %dma_wait3A_41 = arith.constant 0 : i32
      %dma_wait3A_42 = tpu.memref_slice %arg4[%add3A, %dma_wait3A, %dma_wait3A_41] : memref<32x80x128xi32, #tpu.memory_space<hbm>> -> memref<1x40x128xi32, #tpu.memory_space<hbm>>
      %dma_wait3A_43 = tpu.memref_squeeze %dma_wait3A_42 : memref<1x40x128xi32, #tpu.memory_space<hbm>> -> memref<40x128xi32, #tpu.memory_space<hbm>>
      %dma_wait3A_44 = arith.constant 0 : i32
      %dma_wait3A_45 = arith.constant 0 : i32
      %dma_wait3A_46 = tpu.memref_slice %arg4[%add3A, %dma_wait3A_44, %dma_wait3A_45] : memref<32x80x128xi32, #tpu.memory_space<hbm>> -> memref<1x40x128xi32, #tpu.memory_space<hbm>>
      %dma_wait3A_47 = tpu.memref_squeeze %dma_wait3A_46 : memref<1x40x128xi32, #tpu.memory_space<hbm>> -> memref<40x128xi32, #tpu.memory_space<hbm>>
      tpu.wait_dma2 semaphore(%run_scoped3A : memref<!tpu.dma_semaphore, #tpu.memory_space<semaphore_mem>>) src(%dma_wait3A_47 : memref<40x128xi32, #tpu.memory_space<hbm>>) dst(%arg8 : memref<40x128xi32, #tpu.memory_space<vmem>>)
      tpu.yield
    }) : () -> ()
    %scan3A_19 = arith.constant 0 : i32
    %scan3A_20 = arith.constant 0 : i32
    %scan3A_21 = arith.constant 20 : i32
    %scan3A_22 = arith.addi %scan3A_20, %scan3A_21 : i32
    %scan3A_23 = arith.constant 1 : i32
    %scan3A_24 = scf.for %scan3A_34 = %scan3A_20 to %scan3A_22 step %scan3A_23 iter_args(%scan3A_35 = %scan3A_19) -> (i32)  : i32 {
      %mul3A_36 = arith.constant 2 : i32
      %mul3A_37 = arith.muli %mul3A_36, %scan3A_34 : i32
      %dma_start3A = arith.constant 0 : i32
      %dma_start3A_38 = tpu.memref_slice %arg7[%mul3A_37, %dma_start3A] : memref<40x128xi32, #tpu.memory_space<vmem>> -> memref<1x128xi32, #tpu.memory_space<vmem>>
      %dma_start3A_39 = tpu.memref_squeeze %dma_start3A_38 : memref<1x128xi32, #tpu.memory_space<vmem>> -> memref<128xi32, #tpu.memory_space<vmem>>
      %dma_start3A_40 = arith.constant 0 : i32
      %dma_start3A_41 = arith.constant 0 : i32
      %dma_start3A_42 = tpu.memref_slice %arg2[%dma_start3A_40, %dma_start3A_41] : memref<10000x128xf32, #tpu.memory_space<hbm>> -> memref<10000x128xf32, #tpu.memory_space<hbm>>
      tpu.enqueue_indirect_dma source(%dma_start3A_42 : memref<10000x128xf32, #tpu.memory_space<hbm>>) target(%arg9 : memref<128x128xf32, #tpu.memory_space<vmem>>) offsets(%dma_start3A_39 : memref<128xi32, #tpu.memory_space<vmem>>) semaphore(%arg11 : memref<!tpu.dma_semaphore, #tpu.memory_space<semaphore_mem>>)
      %add3A_43 = arith.constant 1 : i32
      %add3A_44 = arith.addi %mul3A_37, %add3A_43 : i32
      %dma_start3A_45 = arith.constant 0 : i32
      %dma_start3A_46 = tpu.memref_slice %arg7[%add3A_44, %dma_start3A_45] : memref<40x128xi32, #tpu.memory_space<vmem>> -> memref<1x128xi32, #tpu.memory_space<vmem>>
      %dma_start3A_47 = tpu.memref_squeeze %dma_start3A_46 : memref<1x128xi32, #tpu.memory_space<vmem>> -> memref<128xi32, #tpu.memory_space<vmem>>
      %dma_start3A_48 = arith.constant 0 : i32
      %dma_start3A_49 = arith.constant 0 : i32
      %dma_start3A_50 = tpu.memref_slice %arg2[%dma_start3A_48, %dma_start3A_49] : memref<10000x128xf32, #tpu.memory_space<hbm>> -> memref<10000x128xf32, #tpu.memory_space<hbm>>
      tpu.enqueue_indirect_dma source(%dma_start3A_50 : memref<10000x128xf32, #tpu.memory_space<hbm>>) target(%arg10 : memref<128x128xf32, #tpu.memory_space<vmem>>) offsets(%dma_start3A_47 : memref<128xi32, #tpu.memory_space<vmem>>) semaphore(%arg12 : memref<!tpu.dma_semaphore, #tpu.memory_space<semaphore_mem>>)
      %dma_wait3A = arith.constant 0 : i32
      %dma_wait3A_51 = tpu.memref_slice %arg7[%mul3A_37, %dma_wait3A] : memref<40x128xi32, #tpu.memory_space<vmem>> -> memref<1x128xi32, #tpu.memory_space<vmem>>
      %dma_wait3A_52 = tpu.memref_squeeze %dma_wait3A_51 : memref<1x128xi32, #tpu.memory_space<vmem>> -> memref<128xi32, #tpu.memory_space<vmem>>
      %dma_wait3A_53 = arith.constant 0 : i32
      %dma_wait3A_54 = arith.constant 0 : i32
      %dma_wait3A_55 = tpu.memref_slice %arg2[%dma_wait3A_53, %dma_wait3A_54] : memref<10000x128xf32, #tpu.memory_space<hbm>> -> memref<10000x128xf32, #tpu.memory_space<hbm>>
      tpu.wait_indirect_dma semaphore(%arg11 : memref<!tpu.dma_semaphore, #tpu.memory_space<semaphore_mem>>) src(%dma_wait3A_55 : memref<10000x128xf32, #tpu.memory_space<hbm>>) dst(%arg9 : memref<128x128xf32, #tpu.memory_space<vmem>>)
      "tpu.region"() ({
        %run_scoped3A = tpu.sem_alloc : memref<!tpu.dma_semaphore, #tpu.memory_space<semaphore_mem>>
        %dma_start3A_65 = arith.constant 0 : i32
        %dma_start3A_66 = tpu.memref_slice %arg8[%mul3A_37, %dma_start3A_65] : memref<40x128xi32, #tpu.memory_space<vmem>> -> memref<1x128xi32, #tpu.memory_space<vmem>>
        %dma_start3A_67 = tpu.memref_squeeze %dma_start3A_66 : memref<1x128xi32, #tpu.memory_space<vmem>> -> memref<128xi32, #tpu.memory_space<vmem>>
        %dma_start3A_68 = arith.constant 0 : i32
        %dma_start3A_69 = arith.constant 0 : i32
        %dma_start3A_70 = tpu.memref_slice %arg6[%dma_start3A_68, %dma_start3A_69] : memref<10112x128xf32, #tpu.memory_space<vmem_shared>> -> memref<10112x128xf32, #tpu.memory_space<vmem_shared>>
        tpu.enqueue_indirect_dma source(%arg9 : memref<128x128xf32, #tpu.memory_space<vmem>>) target(%dma_start3A_70 : memref<10112x128xf32, #tpu.memory_space<vmem_shared>>) offsets(%dma_start3A_67 : memref<128xi32, #tpu.memory_space<vmem>>) semaphore(%run_scoped3A : memref<!tpu.dma_semaphore, #tpu.memory_space<semaphore_mem>>) {add = true}
        %dma_wait3A_71 = arith.constant 0 : i32
        %dma_wait3A_72 = tpu.memref_slice %arg8[%mul3A_37, %dma_wait3A_71] : memref<40x128xi32, #tpu.memory_space<vmem>> -> memref<1x128xi32, #tpu.memory_space<vmem>>
        %dma_wait3A_73 = tpu.memref_squeeze %dma_wait3A_72 : memref<1x128xi32, #tpu.memory_space<vmem>> -> memref<128xi32, #tpu.memory_space<vmem>>
        %dma_wait3A_74 = arith.constant 0 : i32
        %dma_wait3A_75 = arith.constant 0 : i32
        %dma_wait3A_76 = tpu.memref_slice %arg6[%dma_wait3A_74, %dma_wait3A_75] : memref<10112x128xf32, #tpu.memory_space<vmem_shared>> -> memref<10112x128xf32, #tpu.memory_space<vmem_shared>>
        tpu.wait_indirect_dma semaphore(%run_scoped3A : memref<!tpu.dma_semaphore, #tpu.memory_space<semaphore_mem>>) src(%arg9 : memref<128x128xf32, #tpu.memory_space<vmem>>) dst(%dma_wait3A_76 : memref<10112x128xf32, #tpu.memory_space<vmem_shared>>)
        tpu.yield
      }) : () -> ()
      %dma_wait3A_56 = arith.constant 0 : i32
      %dma_wait3A_57 = tpu.memref_slice %arg7[%add3A_44, %dma_wait3A_56] : memref<40x128xi32, #tpu.memory_space<vmem>> -> memref<1x128xi32, #tpu.memory_space<vmem>>
      %dma_wait3A_58 = tpu.memref_squeeze %dma_wait3A_57 : memref<1x128xi32, #tpu.memory_space<vmem>> -> memref<128xi32, #tpu.memory_space<vmem>>
      %dma_wait3A_59 = arith.constant 0 : i32
      %dma_wait3A_60 = arith.constant 0 : i32
      %dma_wait3A_61 = tpu.memref_slice %arg2[%dma_wait3A_59, %dma_wait3A_60] : memref<10000x128xf32, #tpu.memory_space<hbm>> -> memref<10000x128xf32, #tpu.memory_space<hbm>>
      tpu.wait_indirect_dma semaphore(%arg12 : memref<!tpu.dma_semaphore, #tpu.memory_space<semaphore_mem>>) src(%dma_wait3A_61 : memref<10000x128xf32, #tpu.memory_space<hbm>>) dst(%arg10 : memref<128x128xf32, #tpu.memory_space<vmem>>)
      %add3A_62 = arith.constant 1 : i32
      %add3A_63 = arith.addi %mul3A_37, %add3A_62 : i32
      "tpu.region"() ({
        %run_scoped3A = tpu.sem_alloc : memref<!tpu.dma_semaphore, #tpu.memory_space<semaphore_mem>>
        %dma_start3A_65 = arith.constant 0 : i32
        %dma_start3A_66 = tpu.memref_slice %arg8[%add3A_63, %dma_start3A_65] : memref<40x128xi32, #tpu.memory_space<vmem>> -> memref<1x128xi32, #tpu.memory_space<vmem>>
        %dma_start3A_67 = tpu.memref_squeeze %dma_start3A_66 : memref<1x128xi32, #tpu.memory_space<vmem>> -> memref<128xi32, #tpu.memory_space<vmem>>
        %dma_start3A_68 = arith.constant 0 : i32
        %dma_start3A_69 = arith.constant 0 : i32
        %dma_start3A_70 = tpu.memref_slice %arg6[%dma_start3A_68, %dma_start3A_69] : memref<10112x128xf32, #tpu.memory_space<vmem_shared>> -> memref<10112x128xf32, #tpu.memory_space<vmem_shared>>
        tpu.enqueue_indirect_dma source(%arg10 : memref<128x128xf32, #tpu.memory_space<vmem>>) target(%dma_start3A_70 : memref<10112x128xf32, #tpu.memory_space<vmem_shared>>) offsets(%dma_start3A_67 : memref<128xi32, #tpu.memory_space<vmem>>) semaphore(%run_scoped3A : memref<!tpu.dma_semaphore, #tpu.memory_space<semaphore_mem>>) {add = true}
        %dma_wait3A_71 = arith.constant 0 : i32
        %dma_wait3A_72 = tpu.memref_slice %arg8[%add3A_63, %dma_wait3A_71] : memref<40x128xi32, #tpu.memory_space<vmem>> -> memref<1x128xi32, #tpu.memory_space<vmem>>
        %dma_wait3A_73 = tpu.memref_squeeze %dma_wait3A_72 : memref<1x128xi32, #tpu.memory_space<vmem>> -> memref<128xi32, #tpu.memory_space<vmem>>
        %dma_wait3A_74 = arith.constant 0 : i32
        %dma_wait3A_75 = arith.constant 0 : i32
        %dma_wait3A_76 = tpu.memref_slice %arg6[%dma_wait3A_74, %dma_wait3A_75] : memref<10112x128xf32, #tpu.memory_space<vmem_shared>> -> memref<10112x128xf32, #tpu.memory_space<vmem_shared>>
        tpu.wait_indirect_dma semaphore(%run_scoped3A : memref<!tpu.dma_semaphore, #tpu.memory_space<semaphore_mem>>) src(%arg10 : memref<128x128xf32, #tpu.memory_space<vmem>>) dst(%dma_wait3A_76 : memref<10112x128xf32, #tpu.memory_space<vmem_shared>>)
        tpu.yield
      }) : () -> ()
      %scan3A_64 = arith.constant 0 : i32
      scf.yield %scan3A_64 : i32
    }
    %scan3A_25 = arith.constant 20 : i32
    "tpu.region"() ({
      %run_scoped3A = tpu.sem_alloc : memref<!tpu.dma_semaphore, #tpu.memory_space<semaphore_mem>>
      %dma_start3A = arith.constant 40 : i32
      %dma_start3A_34 = arith.constant 0 : i32
      %dma_start3A_35 = tpu.memref_slice %arg3[%add3A, %dma_start3A, %dma_start3A_34] : memref<32x80x128xi32, #tpu.memory_space<hbm>> -> memref<1x40x128xi32, #tpu.memory_space<hbm>>
      %dma_start3A_36 = tpu.memref_squeeze %dma_start3A_35 : memref<1x40x128xi32, #tpu.memory_space<hbm>> -> memref<40x128xi32, #tpu.memory_space<hbm>>
      %dma_start3A_37 = arith.constant 40 : i32
      %dma_start3A_38 = arith.constant 0 : i32
      %dma_start3A_39 = tpu.memref_slice %arg3[%add3A, %dma_start3A_37, %dma_start3A_38] : memref<32x80x128xi32, #tpu.memory_space<hbm>> -> memref<1x40x128xi32, #tpu.memory_space<hbm>>
      %dma_start3A_40 = tpu.memref_squeeze %dma_start3A_39 : memref<1x40x128xi32, #tpu.memory_space<hbm>> -> memref<40x128xi32, #tpu.memory_space<hbm>>
      tpu.enqueue_dma source(%dma_start3A_40 : memref<40x128xi32, #tpu.memory_space<hbm>>) target(%arg7 : memref<40x128xi32, #tpu.memory_space<vmem>>) target_semaphore(%run_scoped3A : memref<!tpu.dma_semaphore, #tpu.memory_space<semaphore_mem>>)
      %dma_wait3A = arith.constant 40 : i32
      %dma_wait3A_41 = arith.constant 0 : i32
      %dma_wait3A_42 = tpu.memref_slice %arg3[%add3A, %dma_wait3A, %dma_wait3A_41] : memref<32x80x128xi32, #tpu.memory_space<hbm>> -> memref<1x40x128xi32, #tpu.memory_space<hbm>>
      %dma_wait3A_43 = tpu.memref_squeeze %dma_wait3A_42 : memref<1x40x128xi32, #tpu.memory_space<hbm>> -> memref<40x128xi32, #tpu.memory_space<hbm>>
      %dma_wait3A_44 = arith.constant 40 : i32
      %dma_wait3A_45 = arith.constant 0 : i32
      %dma_wait3A_46 = tpu.memref_slice %arg3[%add3A, %dma_wait3A_44, %dma_wait3A_45] : memref<32x80x128xi32, #tpu.memory_space<hbm>> -> memref<1x40x128xi32, #tpu.memory_space<hbm>>
      %dma_wait3A_47 = tpu.memref_squeeze %dma_wait3A_46 : memref<1x40x128xi32, #tpu.memory_space<hbm>> -> memref<40x128xi32, #tpu.memory_space<hbm>>
      tpu.wait_dma2 semaphore(%run_scoped3A : memref<!tpu.dma_semaphore, #tpu.memory_space<semaphore_mem>>) src(%dma_wait3A_47 : memref<40x128xi32, #tpu.memory_space<hbm>>) dst(%arg7 : memref<40x128xi32, #tpu.memory_space<vmem>>)
      tpu.yield
    }) : () -> ()
    "tpu.region"() ({
      %run_scoped3A = tpu.sem_alloc : memref<!tpu.dma_semaphore, #tpu.memory_space<semaphore_mem>>
      %dma_start3A = arith.constant 40 : i32
      %dma_start3A_34 = arith.constant 0 : i32
      %dma_start3A_35 = tpu.memref_slice %arg4[%add3A, %dma_start3A, %dma_start3A_34] : memref<32x80x128xi32, #tpu.memory_space<hbm>> -> memref<1x40x128xi32, #tpu.memory_space<hbm>>
      %dma_start3A_36 = tpu.memref_squeeze %dma_start3A_35 : memref<1x40x128xi32, #tpu.memory_space<hbm>> -> memref<40x128xi32, #tpu.memory_space<hbm>>
      %dma_start3A_37 = arith.constant 40 : i32
      %dma_start3A_38 = arith.constant 0 : i32
      %dma_start3A_39 = tpu.memref_slice %arg4[%add3A, %dma_start3A_37, %dma_start3A_38] : memref<32x80x128xi32, #tpu.memory_space<hbm>> -> memref<1x40x128xi32, #tpu.memory_space<hbm>>
      %dma_start3A_40 = tpu.memref_squeeze %dma_start3A_39 : memref<1x40x128xi32, #tpu.memory_space<hbm>> -> memref<40x128xi32, #tpu.memory_space<hbm>>
      tpu.enqueue_dma source(%dma_start3A_40 : memref<40x128xi32, #tpu.memory_space<hbm>>) target(%arg8 : memref<40x128xi32, #tpu.memory_space<vmem>>) target_semaphore(%run_scoped3A : memref<!tpu.dma_semaphore, #tpu.memory_space<semaphore_mem>>)
      %dma_wait3A = arith.constant 40 : i32
      %dma_wait3A_41 = arith.constant 0 : i32
      %dma_wait3A_42 = tpu.memref_slice %arg4[%add3A, %dma_wait3A, %dma_wait3A_41] : memref<32x80x128xi32, #tpu.memory_space<hbm>> -> memref<1x40x128xi32, #tpu.memory_space<hbm>>
      %dma_wait3A_43 = tpu.memref_squeeze %dma_wait3A_42 : memref<1x40x128xi32, #tpu.memory_space<hbm>> -> memref<40x128xi32, #tpu.memory_space<hbm>>
      %dma_wait3A_44 = arith.constant 40 : i32
      %dma_wait3A_45 = arith.constant 0 : i32
      %dma_wait3A_46 = tpu.memref_slice %arg4[%add3A, %dma_wait3A_44, %dma_wait3A_45] : memref<32x80x128xi32, #tpu.memory_space<hbm>> -> memref<1x40x128xi32, #tpu.memory_space<hbm>>
      %dma_wait3A_47 = tpu.memref_squeeze %dma_wait3A_46 : memref<1x40x128xi32, #tpu.memory_space<hbm>> -> memref<40x128xi32, #tpu.memory_space<hbm>>
      tpu.wait_dma2 semaphore(%run_scoped3A : memref<!tpu.dma_semaphore, #tpu.memory_space<semaphore_mem>>) src(%dma_wait3A_47 : memref<40x128xi32, #tpu.memory_space<hbm>>) dst(%arg8 : memref<40x128xi32, #tpu.memory_space<vmem>>)
      tpu.yield
    }) : () -> ()
    %scan3A_26 = arith.constant 0 : i32
    %scan3A_27 = arith.constant 0 : i32
    %scan3A_28 = arith.constant 20 : i32
    %scan3A_29 = arith.addi %scan3A_27, %scan3A_28 : i32
    %scan3A_30 = arith.constant 1 : i32
    %scan3A_31 = scf.for %scan3A_34 = %scan3A_27 to %scan3A_29 step %scan3A_30 iter_args(%scan3A_35 = %scan3A_26) -> (i32)  : i32 {
      %mul3A_36 = arith.constant 2 : i32
      %mul3A_37 = arith.muli %mul3A_36, %scan3A_34 : i32
      %dma_start3A = arith.constant 0 : i32
      %dma_start3A_38 = tpu.memref_slice %arg7[%mul3A_37, %dma_start3A] : memref<40x128xi32, #tpu.memory_space<vmem>> -> memref<1x128xi32, #tpu.memory_space<vmem>>
      %dma_start3A_39 = tpu.memref_squeeze %dma_start3A_38 : memref<1x128xi32, #tpu.memory_space<vmem>> -> memref<128xi32, #tpu.memory_space<vmem>>
      %dma_start3A_40 = arith.constant 0 : i32
      %dma_start3A_41 = arith.constant 0 : i32
      %dma_start3A_42 = tpu.memref_slice %arg2[%dma_start3A_40, %dma_start3A_41] : memref<10000x128xf32, #tpu.memory_space<hbm>> -> memref<10000x128xf32, #tpu.memory_space<hbm>>
      tpu.enqueue_indirect_dma source(%dma_start3A_42 : memref<10000x128xf32, #tpu.memory_space<hbm>>) target(%arg9 : memref<128x128xf32, #tpu.memory_space<vmem>>) offsets(%dma_start3A_39 : memref<128xi32, #tpu.memory_space<vmem>>) semaphore(%arg11 : memref<!tpu.dma_semaphore, #tpu.memory_space<semaphore_mem>>)
      %add3A_43 = arith.constant 1 : i32
      %add3A_44 = arith.addi %mul3A_37, %add3A_43 : i32
      %dma_start3A_45 = arith.constant 0 : i32
      %dma_start3A_46 = tpu.memref_slice %arg7[%add3A_44, %dma_start3A_45] : memref<40x128xi32, #tpu.memory_space<vmem>> -> memref<1x128xi32, #tpu.memory_space<vmem>>
      %dma_start3A_47 = tpu.memref_squeeze %dma_start3A_46 : memref<1x128xi32, #tpu.memory_space<vmem>> -> memref<128xi32, #tpu.memory_space<vmem>>
      %dma_start3A_48 = arith.constant 0 : i32
      %dma_start3A_49 = arith.constant 0 : i32
      %dma_start3A_50 = tpu.memref_slice %arg2[%dma_start3A_48, %dma_start3A_49] : memref<10000x128xf32, #tpu.memory_space<hbm>> -> memref<10000x128xf32, #tpu.memory_space<hbm>>
      tpu.enqueue_indirect_dma source(%dma_start3A_50 : memref<10000x128xf32, #tpu.memory_space<hbm>>) target(%arg10 : memref<128x128xf32, #tpu.memory_space<vmem>>) offsets(%dma_start3A_47 : memref<128xi32, #tpu.memory_space<vmem>>) semaphore(%arg12 : memref<!tpu.dma_semaphore, #tpu.memory_space<semaphore_mem>>)
      %dma_wait3A = arith.constant 0 : i32
      %dma_wait3A_51 = tpu.memref_slice %arg7[%mul3A_37, %dma_wait3A] : memref<40x128xi32, #tpu.memory_space<vmem>> -> memref<1x128xi32, #tpu.memory_space<vmem>>
      %dma_wait3A_52 = tpu.memref_squeeze %dma_wait3A_51 : memref<1x128xi32, #tpu.memory_space<vmem>> -> memref<128xi32, #tpu.memory_space<vmem>>
      %dma_wait3A_53 = arith.constant 0 : i32
      %dma_wait3A_54 = arith.constant 0 : i32
      %dma_wait3A_55 = tpu.memref_slice %arg2[%dma_wait3A_53, %dma_wait3A_54] : memref<10000x128xf32, #tpu.memory_space<hbm>> -> memref<10000x128xf32, #tpu.memory_space<hbm>>
      tpu.wait_indirect_dma semaphore(%arg11 : memref<!tpu.dma_semaphore, #tpu.memory_space<semaphore_mem>>) src(%dma_wait3A_55 : memref<10000x128xf32, #tpu.memory_space<hbm>>) dst(%arg9 : memref<128x128xf32, #tpu.memory_space<vmem>>)
      "tpu.region"() ({
        %run_scoped3A = tpu.sem_alloc : memref<!tpu.dma_semaphore, #tpu.memory_space<semaphore_mem>>
        %dma_start3A_65 = arith.constant 0 : i32
        %dma_start3A_66 = tpu.memref_slice %arg8[%mul3A_37, %dma_start3A_65] : memref<40x128xi32, #tpu.memory_space<vmem>> -> memref<1x128xi32, #tpu.memory_space<vmem>>
        %dma_start3A_67 = tpu.memref_squeeze %dma_start3A_66 : memref<1x128xi32, #tpu.memory_space<vmem>> -> memref<128xi32, #tpu.memory_space<vmem>>
        %dma_start3A_68 = arith.constant 0 : i32
        %dma_start3A_69 = arith.constant 0 : i32
        %dma_start3A_70 = tpu.memref_slice %arg6[%dma_start3A_68, %dma_start3A_69] : memref<10112x128xf32, #tpu.memory_space<vmem_shared>> -> memref<10112x128xf32, #tpu.memory_space<vmem_shared>>
        tpu.enqueue_indirect_dma source(%arg9 : memref<128x128xf32, #tpu.memory_space<vmem>>) target(%dma_start3A_70 : memref<10112x128xf32, #tpu.memory_space<vmem_shared>>) offsets(%dma_start3A_67 : memref<128xi32, #tpu.memory_space<vmem>>) semaphore(%run_scoped3A : memref<!tpu.dma_semaphore, #tpu.memory_space<semaphore_mem>>) {add = true}
        %dma_wait3A_71 = arith.constant 0 : i32
        %dma_wait3A_72 = tpu.memref_slice %arg8[%mul3A_37, %dma_wait3A_71] : memref<40x128xi32, #tpu.memory_space<vmem>> -> memref<1x128xi32, #tpu.memory_space<vmem>>
        %dma_wait3A_73 = tpu.memref_squeeze %dma_wait3A_72 : memref<1x128xi32, #tpu.memory_space<vmem>> -> memref<128xi32, #tpu.memory_space<vmem>>
        %dma_wait3A_74 = arith.constant 0 : i32
        %dma_wait3A_75 = arith.constant 0 : i32
        %dma_wait3A_76 = tpu.memref_slice %arg6[%dma_wait3A_74, %dma_wait3A_75] : memref<10112x128xf32, #tpu.memory_space<vmem_shared>> -> memref<10112x128xf32, #tpu.memory_space<vmem_shared>>
        tpu.wait_indirect_dma semaphore(%run_scoped3A : memref<!tpu.dma_semaphore, #tpu.memory_space<semaphore_mem>>) src(%arg9 : memref<128x128xf32, #tpu.memory_space<vmem>>) dst(%dma_wait3A_76 : memref<10112x128xf32, #tpu.memory_space<vmem_shared>>)
        tpu.yield
      }) : () -> ()
      %dma_wait3A_56 = arith.constant 0 : i32
      %dma_wait3A_57 = tpu.memref_slice %arg7[%add3A_44, %dma_wait3A_56] : memref<40x128xi32, #tpu.memory_space<vmem>> -> memref<1x128xi32, #tpu.memory_space<vmem>>
      %dma_wait3A_58 = tpu.memref_squeeze %dma_wait3A_57 : memref<1x128xi32, #tpu.memory_space<vmem>> -> memref<128xi32, #tpu.memory_space<vmem>>
      %dma_wait3A_59 = arith.constant 0 : i32
      %dma_wait3A_60 = arith.constant 0 : i32
      %dma_wait3A_61 = tpu.memref_slice %arg2[%dma_wait3A_59, %dma_wait3A_60] : memref<10000x128xf32, #tpu.memory_space<hbm>> -> memref<10000x128xf32, #tpu.memory_space<hbm>>
      tpu.wait_indirect_dma semaphore(%arg12 : memref<!tpu.dma_semaphore, #tpu.memory_space<semaphore_mem>>) src(%dma_wait3A_61 : memref<10000x128xf32, #tpu.memory_space<hbm>>) dst(%arg10 : memref<128x128xf32, #tpu.memory_space<vmem>>)
      %add3A_62 = arith.constant 1 : i32
      %add3A_63 = arith.addi %mul3A_37, %add3A_62 : i32
      "tpu.region"() ({
        %run_scoped3A = tpu.sem_alloc : memref<!tpu.dma_semaphore, #tpu.memory_space<semaphore_mem>>
        %dma_start3A_65 = arith.constant 0 : i32
        %dma_start3A_66 = tpu.memref_slice %arg8[%add3A_63, %dma_start3A_65] : memref<40x128xi32, #tpu.memory_space<vmem>> -> memref<1x128xi32, #tpu.memory_space<vmem>>
        %dma_start3A_67 = tpu.memref_squeeze %dma_start3A_66 : memref<1x128xi32, #tpu.memory_space<vmem>> -> memref<128xi32, #tpu.memory_space<vmem>>
        %dma_start3A_68 = arith.constant 0 : i32
        %dma_start3A_69 = arith.constant 0 : i32
        %dma_start3A_70 = tpu.memref_slice %arg6[%dma_start3A_68, %dma_start3A_69] : memref<10112x128xf32, #tpu.memory_space<vmem_shared>> -> memref<10112x128xf32, #tpu.memory_space<vmem_shared>>
        tpu.enqueue_indirect_dma source(%arg10 : memref<128x128xf32, #tpu.memory_space<vmem>>) target(%dma_start3A_70 : memref<10112x128xf32, #tpu.memory_space<vmem_shared>>) offsets(%dma_start3A_67 : memref<128xi32, #tpu.memory_space<vmem>>) semaphore(%run_scoped3A : memref<!tpu.dma_semaphore, #tpu.memory_space<semaphore_mem>>) {add = true}
        %dma_wait3A_71 = arith.constant 0 : i32
        %dma_wait3A_72 = tpu.memref_slice %arg8[%add3A_63, %dma_wait3A_71] : memref<40x128xi32, #tpu.memory_space<vmem>> -> memref<1x128xi32, #tpu.memory_space<vmem>>
        %dma_wait3A_73 = tpu.memref_squeeze %dma_wait3A_72 : memref<1x128xi32, #tpu.memory_space<vmem>> -> memref<128xi32, #tpu.memory_space<vmem>>
        %dma_wait3A_74 = arith.constant 0 : i32
        %dma_wait3A_75 = arith.constant 0 : i32
        %dma_wait3A_76 = tpu.memref_slice %arg6[%dma_wait3A_74, %dma_wait3A_75] : memref<10112x128xf32, #tpu.memory_space<vmem_shared>> -> memref<10112x128xf32, #tpu.memory_space<vmem_shared>>
        tpu.wait_indirect_dma semaphore(%run_scoped3A : memref<!tpu.dma_semaphore, #tpu.memory_space<semaphore_mem>>) src(%arg10 : memref<128x128xf32, #tpu.memory_space<vmem>>) dst(%dma_wait3A_76 : memref<10112x128xf32, #tpu.memory_space<vmem_shared>>)
        tpu.yield
      }) : () -> ()
      %scan3A_64 = arith.constant 0 : i32
      scf.yield %scan3A_64 : i32
    }
    %scan3A_32 = arith.constant 20 : i32
    %barrier3A_33 = arith.constant 0 : index
    tpu.barrier barrier_id(%barrier3A_33)
    "tpu.region"() ({
      %run_scoped3A = tpu.sem_alloc : memref<!tpu.dma_semaphore, #tpu.memory_space<semaphore_mem>>
      %dma_start3A = arith.constant 0 : i32
      %dma_start3A_34 = tpu.memref_slice %arg5[%arg0, %mul3A_2, %dma_start3A] : memref<2x10112x128xf32, #tpu.memory_space<hbm>> -> memref<1x632x128xf32, #tpu.memory_space<hbm>>
      %dma_start3A_35 = tpu.memref_squeeze %dma_start3A_34 : memref<1x632x128xf32, #tpu.memory_space<hbm>> -> memref<632x128xf32, #tpu.memory_space<hbm>>
      %dma_start3A_36 = arith.constant 0 : i32
      %dma_start3A_37 = tpu.memref_slice %arg6[%mul3A_2, %dma_start3A_36] : memref<10112x128xf32, #tpu.memory_space<vmem_shared>> -> memref<632x128xf32, #tpu.memory_space<vmem_shared>>
      tpu.enqueue_dma source(%dma_start3A_37 : memref<632x128xf32, #tpu.memory_space<vmem_shared>>) target(%dma_start3A_35 : memref<632x128xf32, #tpu.memory_space<hbm>>) target_semaphore(%run_scoped3A : memref<!tpu.dma_semaphore, #tpu.memory_space<semaphore_mem>>)
      %dma_wait3A = arith.constant 0 : i32
      %dma_wait3A_38 = tpu.memref_slice %arg5[%arg0, %mul3A_2, %dma_wait3A] : memref<2x10112x128xf32, #tpu.memory_space<hbm>> -> memref<1x632x128xf32, #tpu.memory_space<hbm>>
      %dma_wait3A_39 = tpu.memref_squeeze %dma_wait3A_38 : memref<1x632x128xf32, #tpu.memory_space<hbm>> -> memref<632x128xf32, #tpu.memory_space<hbm>>
      %dma_wait3A_40 = arith.constant 0 : i32
      %dma_wait3A_41 = tpu.memref_slice %arg6[%mul3A_2, %dma_wait3A_40] : memref<10112x128xf32, #tpu.memory_space<vmem_shared>> -> memref<632x128xf32, #tpu.memory_space<vmem_shared>>
      tpu.wait_dma2 semaphore(%run_scoped3A : memref<!tpu.dma_semaphore, #tpu.memory_space<semaphore_mem>>) src(%dma_wait3A_41 : memref<632x128xf32, #tpu.memory_space<vmem_shared>>) dst(%dma_wait3A_39 : memref<632x128xf32, #tpu.memory_space<hbm>>)
      tpu.yield
    }) : () -> ()
    return
  }
}

#map = affine_map<(d0, d1) -> (0, 0)>
#map1 = affine_map<(d0, d1) -> (0, 0, 0)>
module attributes {stable_mosaic.version = 14 : i64} {
  func.func @_agg_body(%arg0: i32, %arg1: i32, %arg2: memref<10000x128xf32, #tpu.memory_space<hbm>>, %arg3: memref<32x80x128xi32, #tpu.memory_space<hbm>>, %arg4: memref<32x80x128xi32, #tpu.memory_space<hbm>>, %arg5: memref<2x10112x128xf32, #tpu.memory_space<hbm>>, %arg6: memref<10112x128xf32, #tpu.memory_space<vmem_shared>>, %arg7: memref<40x128xi32, #tpu.memory_space<vmem>>, %arg8: memref<40x128xi32, #tpu.memory_space<vmem>>, %arg9: memref<128x128xf32, #tpu.memory_space<vmem>>, %arg10: memref<128x128xf32, #tpu.memory_space<vmem>>, %arg11: memref<!tpu.dma_semaphore, #tpu.memory_space<semaphore_mem>>, %arg12: memref<!tpu.dma_semaphore, #tpu.memory_space<semaphore_mem>>) attributes {dimension_semantics = [#tpu.dimension_semantics<core_parallel>, #tpu.dimension_semantics<subcore_parallel>], iteration_bounds = array<i64: 2, 16>, scalar_prefetch = 0 : i64, scratch_operands = 7 : i64, tpu.core_type = #tpu.core_type<sc_vector_subcore>, window_params = [{transform_indices = #map}, {transform_indices = #map1}, {transform_indices = #map1}, {transform_indices = #map1}]} {
    %mul3A = arith.constant 16 : i32
    %mul3A_0 = arith.muli %arg0, %mul3A : i32
    %add3A = arith.addi %mul3A_0, %arg1 : i32
    %mul3A_1 = arith.constant 632 : i32
    %mul3A_2 = arith.muli %arg1, %mul3A_1 : i32
    %scan3A = arith.constant 0 : i32
    %scan3A_3 = arith.constant 0 : i32
    %scan3A_4 = arith.constant 128 : i32
    %scan3A_5 = arith.addi %scan3A_3, %scan3A_4 : i32
    %scan3A_6 = arith.constant 1 : i32
    %scan3A_7 = scf.for %scan3A_34 = %scan3A_3 to %scan3A_5 step %scan3A_6 iter_args(%scan3A_35 = %scan3A) -> (i32)  : i32 {
      %broadcast_in_dim3A = arith.constant 0.000000e+00 : f32
      %broadcast_in_dim3A_36 = vector.broadcast %broadcast_in_dim3A : f32 to vector<16xf32>
      %swap3A = arith.index_cast %scan3A_34 : i32 to index
      %swap3A_37 = arith.constant 0 : index
      %swap3A_38 = tpu.vector_load %arg9[%swap3A, %swap3A_37] {strides = array<i32>} : memref<128x128xf32, #tpu.memory_space<vmem>>, vector<1x16xf32>,
      %swap3A_39 = vector.shape_cast %swap3A_38 : vector<1x16xf32> to vector<16xf32>
      %swap3A_40 = vector.shape_cast %broadcast_in_dim3A_36 : vector<16xf32> to vector<1x16xf32>
      tpu.vector_store %arg9[%swap3A, %swap3A_37], %swap3A_40 {strides = array<i32>} : memref<128x128xf32, #tpu.memory_space<vmem>>, vector<1x16xf32>,
      %broadcast_in_dim3A_41 = arith.constant 0.000000e+00 : f32
      %broadcast_in_dim3A_42 = vector.broadcast %broadcast_in_dim3A_41 : f32 to vector<16xf32>
      %swap3A_43 = arith.index_cast %scan3A_34 : i32 to index
      %swap3A_44 = arith.constant 16 : index
      %swap3A_45 = tpu.vector_load %arg9[%swap3A_43, %swap3A_44] {strides = array<i32>} : memref<128x128xf32, #tpu.memory_space<vmem>>, vector<1x16xf32>,
      %swap3A_46 = vector.shape_cast %swap3A_45 : vector<1x16xf32> to vector<16xf32>
      %swap3A_47 = vector.shape_cast %broadcast_in_dim3A_42 : vector<16xf32> to vector<1x16xf32>
      tpu.vector_store %arg9[%swap3A_43, %swap3A_44], %swap3A_47 {strides = array<i32>} : memref<128x128xf32, #tpu.memory_space<vmem>>, vector<1x16xf32>,
      %broadcast_in_dim3A_48 = arith.constant 0.000000e+00 : f32
      %broadcast_in_dim3A_49 = vector.broadcast %broadcast_in_dim3A_48 : f32 to vector<16xf32>
      %swap3A_50 = arith.index_cast %scan3A_34 : i32 to index
      %swap3A_51 = arith.constant 32 : index
      %swap3A_52 = tpu.vector_load %arg9[%swap3A_50, %swap3A_51] {strides = array<i32>} : memref<128x128xf32, #tpu.memory_space<vmem>>, vector<1x16xf32>,
      %swap3A_53 = vector.shape_cast %swap3A_52 : vector<1x16xf32> to vector<16xf32>
      %swap3A_54 = vector.shape_cast %broadcast_in_dim3A_49 : vector<16xf32> to vector<1x16xf32>
      tpu.vector_store %arg9[%swap3A_50, %swap3A_51], %swap3A_54 {strides = array<i32>} : memref<128x128xf32, #tpu.memory_space<vmem>>, vector<1x16xf32>,
      %broadcast_in_dim3A_55 = arith.constant 0.000000e+00 : f32
      %broadcast_in_dim3A_56 = vector.broadcast %broadcast_in_dim3A_55 : f32 to vector<16xf32>
      %swap3A_57 = arith.index_cast %scan3A_34 : i32 to index
      %swap3A_58 = arith.constant 48 : index
      %swap3A_59 = tpu.vector_load %arg9[%swap3A_57, %swap3A_58] {strides = array<i32>} : memref<128x128xf32, #tpu.memory_space<vmem>>, vector<1x16xf32>,
      %swap3A_60 = vector.shape_cast %swap3A_59 : vector<1x16xf32> to vector<16xf32>
      %swap3A_61 = vector.shape_cast %broadcast_in_dim3A_56 : vector<16xf32> to vector<1x16xf32>
      tpu.vector_store %arg9[%swap3A_57, %swap3A_58], %swap3A_61 {strides = array<i32>} : memref<128x128xf32, #tpu.memory_space<vmem>>, vector<1x16xf32>,
      %broadcast_in_dim3A_62 = arith.constant 0.000000e+00 : f32
      %broadcast_in_dim3A_63 = vector.broadcast %broadcast_in_dim3A_62 : f32 to vector<16xf32>
      %swap3A_64 = arith.index_cast %scan3A_34 : i32 to index
      %swap3A_65 = arith.constant 64 : index
      %swap3A_66 = tpu.vector_load %arg9[%swap3A_64, %swap3A_65] {strides = array<i32>} : memref<128x128xf32, #tpu.memory_space<vmem>>, vector<1x16xf32>,
      %swap3A_67 = vector.shape_cast %swap3A_66 : vector<1x16xf32> to vector<16xf32>
      %swap3A_68 = vector.shape_cast %broadcast_in_dim3A_63 : vector<16xf32> to vector<1x16xf32>
      tpu.vector_store %arg9[%swap3A_64, %swap3A_65], %swap3A_68 {strides = array<i32>} : memref<128x128xf32, #tpu.memory_space<vmem>>, vector<1x16xf32>,
      %broadcast_in_dim3A_69 = arith.constant 0.000000e+00 : f32
      %broadcast_in_dim3A_70 = vector.broadcast %broadcast_in_dim3A_69 : f32 to vector<16xf32>
      %swap3A_71 = arith.index_cast %scan3A_34 : i32 to index
      %swap3A_72 = arith.constant 80 : index
      %swap3A_73 = tpu.vector_load %arg9[%swap3A_71, %swap3A_72] {strides = array<i32>} : memref<128x128xf32, #tpu.memory_space<vmem>>, vector<1x16xf32>,
      %swap3A_74 = vector.shape_cast %swap3A_73 : vector<1x16xf32> to vector<16xf32>
      %swap3A_75 = vector.shape_cast %broadcast_in_dim3A_70 : vector<16xf32> to vector<1x16xf32>
      tpu.vector_store %arg9[%swap3A_71, %swap3A_72], %swap3A_75 {strides = array<i32>} : memref<128x128xf32, #tpu.memory_space<vmem>>, vector<1x16xf32>,
      %broadcast_in_dim3A_76 = arith.constant 0.000000e+00 : f32
      %broadcast_in_dim3A_77 = vector.broadcast %broadcast_in_dim3A_76 : f32 to vector<16xf32>
      %swap3A_78 = arith.index_cast %scan3A_34 : i32 to index
      %swap3A_79 = arith.constant 96 : index
      %swap3A_80 = tpu.vector_load %arg9[%swap3A_78, %swap3A_79] {strides = array<i32>} : memref<128x128xf32, #tpu.memory_space<vmem>>, vector<1x16xf32>,
      %swap3A_81 = vector.shape_cast %swap3A_80 : vector<1x16xf32> to vector<16xf32>
      %swap3A_82 = vector.shape_cast %broadcast_in_dim3A_77 : vector<16xf32> to vector<1x16xf32>
      tpu.vector_store %arg9[%swap3A_78, %swap3A_79], %swap3A_82 {strides = array<i32>} : memref<128x128xf32, #tpu.memory_space<vmem>>, vector<1x16xf32>,
      %broadcast_in_dim3A_83 = arith.constant 0.000000e+00 : f32
      %broadcast_in_dim3A_84 = vector.broadcast %broadcast_in_dim3A_83 : f32 to vector<16xf32>
      %swap3A_85 = arith.index_cast %scan3A_34 : i32 to index
      %swap3A_86 = arith.constant 112 : index
      %swap3A_87 = tpu.vector_load %arg9[%swap3A_85, %swap3A_86] {strides = array<i32>} : memref<128x128xf32, #tpu.memory_space<vmem>>, vector<1x16xf32>,
      %swap3A_88 = vector.shape_cast %swap3A_87 : vector<1x16xf32> to vector<16xf32>
      %swap3A_89 = vector.shape_cast %broadcast_in_dim3A_84 : vector<16xf32> to vector<1x16xf32>
      tpu.vector_store %arg9[%swap3A_85, %swap3A_86], %swap3A_89 {strides = array<i32>} : memref<128x128xf32, #tpu.memory_space<vmem>>, vector<1x16xf32>,
      %scan3A_90 = arith.constant 0 : i32
      scf.yield %scan3A_90 : i32
    }
    %scan3A_8 = arith.constant 128 : i32
    %add3A_9 = arith.constant 0 : i32
    %add3A_10 = arith.addi %mul3A_2, %add3A_9 : i32
    "tpu.region"() ({
      %run_scoped3A = tpu.sem_alloc : memref<!tpu.dma_semaphore, #tpu.memory_space<semaphore_mem>>
      %dma_start3A = arith.constant 0 : i32
      %dma_start3A_34 = arith.constant 0 : i32
      %dma_start3A_35 = tpu.memref_slice %arg9[%dma_start3A, %dma_start3A_34] : memref<128x128xf32, #tpu.memory_space<vmem>> -> memref<128x128xf32, #tpu.memory_space<vmem>>
      %dma_start3A_36 = arith.constant 0 : i32
      %dma_start3A_37 = tpu.memref_slice %arg6[%add3A_10, %dma_start3A_36] : memref<10112x128xf32, #tpu.memory_space<vmem_shared>> -> memref<128x128xf32, #tpu.memory_space<vmem_shared>>
      %dma_start3A_38 = arith.constant 0 : i32
      %dma_start3A_39 = tpu.memref_slice %arg6[%add3A_10, %dma_start3A_38] : memref<10112x128xf32, #tpu.memory_space<vmem_shared>> -> memref<128x128xf32, #tpu.memory_space<vmem_shared>>
      %dma_start3A_40 = arith.constant 0 : i32
      %dma_start3A_41 = arith.constant 0 : i32
      %dma_start3A_42 = tpu.memref_slice %arg9[%dma_start3A_40, %dma_start3A_41] : memref<128x128xf32, #tpu.memory_space<vmem>> -> memref<128x128xf32, #tpu.memory_space<vmem>>
      tpu.enqueue_dma source(%dma_start3A_42 : memref<128x128xf32, #tpu.memory_space<vmem>>) target(%dma_start3A_39 : memref<128x128xf32, #tpu.memory_space<vmem_shared>>) target_semaphore(%run_scoped3A : memref<!tpu.dma_semaphore, #tpu.memory_space<semaphore_mem>>)
      %dma_wait3A = arith.constant 0 : i32
      %dma_wait3A_43 = arith.constant 0 : i32
      %dma_wait3A_44 = tpu.memref_slice %arg9[%dma_wait3A, %dma_wait3A_43] : memref<128x128xf32, #tpu.memory_space<vmem>> -> memref<128x128xf32, #tpu.memory_space<vmem>>
      %dma_wait3A_45 = arith.constant 0 : i32
      %dma_wait3A_46 = tpu.memref_slice %arg6[%add3A_10, %dma_wait3A_45] : memref<10112x128xf32, #tpu.memory_space<vmem_shared>> -> memref<128x128xf32, #tpu.memory_space<vmem_shared>>
      %dma_wait3A_47 = arith.constant 0 : i32
      %dma_wait3A_48 = tpu.memref_slice %arg6[%add3A_10, %dma_wait3A_47] : memref<10112x128xf32, #tpu.memory_space<vmem_shared>> -> memref<128x128xf32, #tpu.memory_space<vmem_shared>>
      %dma_wait3A_49 = arith.constant 0 : i32
      %dma_wait3A_50 = arith.constant 0 : i32
      %dma_wait3A_51 = tpu.memref_slice %arg9[%dma_wait3A_49, %dma_wait3A_50] : memref<128x128xf32, #tpu.memory_space<vmem>> -> memref<128x128xf32, #tpu.memory_space<vmem>>
      tpu.wait_dma2 semaphore(%run_scoped3A : memref<!tpu.dma_semaphore, #tpu.memory_space<semaphore_mem>>) src(%dma_wait3A_51 : memref<128x128xf32, #tpu.memory_space<vmem>>) dst(%dma_wait3A_48 : memref<128x128xf32, #tpu.memory_space<vmem_shared>>)
      tpu.yield
    }) : () -> ()
    %add3A_11 = arith.constant 128 : i32
    %add3A_12 = arith.addi %mul3A_2, %add3A_11 : i32
    "tpu.region"() ({
      %run_scoped3A = tpu.sem_alloc : memref<!tpu.dma_semaphore, #tpu.memory_space<semaphore_mem>>
      %dma_start3A = arith.constant 0 : i32
      %dma_start3A_34 = arith.constant 0 : i32
      %dma_start3A_35 = tpu.memref_slice %arg9[%dma_start3A, %dma_start3A_34] : memref<128x128xf32, #tpu.memory_space<vmem>> -> memref<128x128xf32, #tpu.memory_space<vmem>>
      %dma_start3A_36 = arith.constant 0 : i32
      %dma_start3A_37 = tpu.memref_slice %arg6[%add3A_12, %dma_start3A_36] : memref<10112x128xf32, #tpu.memory_space<vmem_shared>> -> memref<128x128xf32, #tpu.memory_space<vmem_shared>>
      %dma_start3A_38 = arith.constant 0 : i32
      %dma_start3A_39 = tpu.memref_slice %arg6[%add3A_12, %dma_start3A_38] : memref<10112x128xf32, #tpu.memory_space<vmem_shared>> -> memref<128x128xf32, #tpu.memory_space<vmem_shared>>
      %dma_start3A_40 = arith.constant 0 : i32
      %dma_start3A_41 = arith.constant 0 : i32
      %dma_start3A_42 = tpu.memref_slice %arg9[%dma_start3A_40, %dma_start3A_41] : memref<128x128xf32, #tpu.memory_space<vmem>> -> memref<128x128xf32, #tpu.memory_space<vmem>>
      tpu.enqueue_dma source(%dma_start3A_42 : memref<128x128xf32, #tpu.memory_space<vmem>>) target(%dma_start3A_39 : memref<128x128xf32, #tpu.memory_space<vmem_shared>>) target_semaphore(%run_scoped3A : memref<!tpu.dma_semaphore, #tpu.memory_space<semaphore_mem>>)
      %dma_wait3A = arith.constant 0 : i32
      %dma_wait3A_43 = arith.constant 0 : i32
      %dma_wait3A_44 = tpu.memref_slice %arg9[%dma_wait3A, %dma_wait3A_43] : memref<128x128xf32, #tpu.memory_space<vmem>> -> memref<128x128xf32, #tpu.memory_space<vmem>>
      %dma_wait3A_45 = arith.constant 0 : i32
      %dma_wait3A_46 = tpu.memref_slice %arg6[%add3A_12, %dma_wait3A_45] : memref<10112x128xf32, #tpu.memory_space<vmem_shared>> -> memref<128x128xf32, #tpu.memory_space<vmem_shared>>
      %dma_wait3A_47 = arith.constant 0 : i32
      %dma_wait3A_48 = tpu.memref_slice %arg6[%add3A_12, %dma_wait3A_47] : memref<10112x128xf32, #tpu.memory_space<vmem_shared>> -> memref<128x128xf32, #tpu.memory_space<vmem_shared>>
      %dma_wait3A_49 = arith.constant 0 : i32
      %dma_wait3A_50 = arith.constant 0 : i32
      %dma_wait3A_51 = tpu.memref_slice %arg9[%dma_wait3A_49, %dma_wait3A_50] : memref<128x128xf32, #tpu.memory_space<vmem>> -> memref<128x128xf32, #tpu.memory_space<vmem>>
      tpu.wait_dma2 semaphore(%run_scoped3A : memref<!tpu.dma_semaphore, #tpu.memory_space<semaphore_mem>>) src(%dma_wait3A_51 : memref<128x128xf32, #tpu.memory_space<vmem>>) dst(%dma_wait3A_48 : memref<128x128xf32, #tpu.memory_space<vmem_shared>>)
      tpu.yield
    }) : () -> ()
    %add3A_13 = arith.constant 256 : i32
    %add3A_14 = arith.addi %mul3A_2, %add3A_13 : i32
    "tpu.region"() ({
      %run_scoped3A = tpu.sem_alloc : memref<!tpu.dma_semaphore, #tpu.memory_space<semaphore_mem>>
      %dma_start3A = arith.constant 0 : i32
      %dma_start3A_34 = arith.constant 0 : i32
      %dma_start3A_35 = tpu.memref_slice %arg9[%dma_start3A, %dma_start3A_34] : memref<128x128xf32, #tpu.memory_space<vmem>> -> memref<128x128xf32, #tpu.memory_space<vmem>>
      %dma_start3A_36 = arith.constant 0 : i32
      %dma_start3A_37 = tpu.memref_slice %arg6[%add3A_14, %dma_start3A_36] : memref<10112x128xf32, #tpu.memory_space<vmem_shared>> -> memref<128x128xf32, #tpu.memory_space<vmem_shared>>
      %dma_start3A_38 = arith.constant 0 : i32
      %dma_start3A_39 = tpu.memref_slice %arg6[%add3A_14, %dma_start3A_38] : memref<10112x128xf32, #tpu.memory_space<vmem_shared>> -> memref<128x128xf32, #tpu.memory_space<vmem_shared>>
      %dma_start3A_40 = arith.constant 0 : i32
      %dma_start3A_41 = arith.constant 0 : i32
      %dma_start3A_42 = tpu.memref_slice %arg9[%dma_start3A_40, %dma_start3A_41] : memref<128x128xf32, #tpu.memory_space<vmem>> -> memref<128x128xf32, #tpu.memory_space<vmem>>
      tpu.enqueue_dma source(%dma_start3A_42 : memref<128x128xf32, #tpu.memory_space<vmem>>) target(%dma_start3A_39 : memref<128x128xf32, #tpu.memory_space<vmem_shared>>) target_semaphore(%run_scoped3A : memref<!tpu.dma_semaphore, #tpu.memory_space<semaphore_mem>>)
      %dma_wait3A = arith.constant 0 : i32
      %dma_wait3A_43 = arith.constant 0 : i32
      %dma_wait3A_44 = tpu.memref_slice %arg9[%dma_wait3A, %dma_wait3A_43] : memref<128x128xf32, #tpu.memory_space<vmem>> -> memref<128x128xf32, #tpu.memory_space<vmem>>
      %dma_wait3A_45 = arith.constant 0 : i32
      %dma_wait3A_46 = tpu.memref_slice %arg6[%add3A_14, %dma_wait3A_45] : memref<10112x128xf32, #tpu.memory_space<vmem_shared>> -> memref<128x128xf32, #tpu.memory_space<vmem_shared>>
      %dma_wait3A_47 = arith.constant 0 : i32
      %dma_wait3A_48 = tpu.memref_slice %arg6[%add3A_14, %dma_wait3A_47] : memref<10112x128xf32, #tpu.memory_space<vmem_shared>> -> memref<128x128xf32, #tpu.memory_space<vmem_shared>>
      %dma_wait3A_49 = arith.constant 0 : i32
      %dma_wait3A_50 = arith.constant 0 : i32
      %dma_wait3A_51 = tpu.memref_slice %arg9[%dma_wait3A_49, %dma_wait3A_50] : memref<128x128xf32, #tpu.memory_space<vmem>> -> memref<128x128xf32, #tpu.memory_space<vmem>>
      tpu.wait_dma2 semaphore(%run_scoped3A : memref<!tpu.dma_semaphore, #tpu.memory_space<semaphore_mem>>) src(%dma_wait3A_51 : memref<128x128xf32, #tpu.memory_space<vmem>>) dst(%dma_wait3A_48 : memref<128x128xf32, #tpu.memory_space<vmem_shared>>)
      tpu.yield
    }) : () -> ()
    %add3A_15 = arith.constant 384 : i32
    %add3A_16 = arith.addi %mul3A_2, %add3A_15 : i32
    "tpu.region"() ({
      %run_scoped3A = tpu.sem_alloc : memref<!tpu.dma_semaphore, #tpu.memory_space<semaphore_mem>>
      %dma_start3A = arith.constant 0 : i32
      %dma_start3A_34 = arith.constant 0 : i32
      %dma_start3A_35 = tpu.memref_slice %arg9[%dma_start3A, %dma_start3A_34] : memref<128x128xf32, #tpu.memory_space<vmem>> -> memref<128x128xf32, #tpu.memory_space<vmem>>
      %dma_start3A_36 = arith.constant 0 : i32
      %dma_start3A_37 = tpu.memref_slice %arg6[%add3A_16, %dma_start3A_36] : memref<10112x128xf32, #tpu.memory_space<vmem_shared>> -> memref<128x128xf32, #tpu.memory_space<vmem_shared>>
      %dma_start3A_38 = arith.constant 0 : i32
      %dma_start3A_39 = tpu.memref_slice %arg6[%add3A_16, %dma_start3A_38] : memref<10112x128xf32, #tpu.memory_space<vmem_shared>> -> memref<128x128xf32, #tpu.memory_space<vmem_shared>>
      %dma_start3A_40 = arith.constant 0 : i32
      %dma_start3A_41 = arith.constant 0 : i32
      %dma_start3A_42 = tpu.memref_slice %arg9[%dma_start3A_40, %dma_start3A_41] : memref<128x128xf32, #tpu.memory_space<vmem>> -> memref<128x128xf32, #tpu.memory_space<vmem>>
      tpu.enqueue_dma source(%dma_start3A_42 : memref<128x128xf32, #tpu.memory_space<vmem>>) target(%dma_start3A_39 : memref<128x128xf32, #tpu.memory_space<vmem_shared>>) target_semaphore(%run_scoped3A : memref<!tpu.dma_semaphore, #tpu.memory_space<semaphore_mem>>)
      %dma_wait3A = arith.constant 0 : i32
      %dma_wait3A_43 = arith.constant 0 : i32
      %dma_wait3A_44 = tpu.memref_slice %arg9[%dma_wait3A, %dma_wait3A_43] : memref<128x128xf32, #tpu.memory_space<vmem>> -> memref<128x128xf32, #tpu.memory_space<vmem>>
      %dma_wait3A_45 = arith.constant 0 : i32
      %dma_wait3A_46 = tpu.memref_slice %arg6[%add3A_16, %dma_wait3A_45] : memref<10112x128xf32, #tpu.memory_space<vmem_shared>> -> memref<128x128xf32, #tpu.memory_space<vmem_shared>>
      %dma_wait3A_47 = arith.constant 0 : i32
      %dma_wait3A_48 = tpu.memref_slice %arg6[%add3A_16, %dma_wait3A_47] : memref<10112x128xf32, #tpu.memory_space<vmem_shared>> -> memref<128x128xf32, #tpu.memory_space<vmem_shared>>
      %dma_wait3A_49 = arith.constant 0 : i32
      %dma_wait3A_50 = arith.constant 0 : i32
      %dma_wait3A_51 = tpu.memref_slice %arg9[%dma_wait3A_49, %dma_wait3A_50] : memref<128x128xf32, #tpu.memory_space<vmem>> -> memref<128x128xf32, #tpu.memory_space<vmem>>
      tpu.wait_dma2 semaphore(%run_scoped3A : memref<!tpu.dma_semaphore, #tpu.memory_space<semaphore_mem>>) src(%dma_wait3A_51 : memref<128x128xf32, #tpu.memory_space<vmem>>) dst(%dma_wait3A_48 : memref<128x128xf32, #tpu.memory_space<vmem_shared>>)
      tpu.yield
    }) : () -> ()
    %add3A_17 = arith.constant 512 : i32
    %add3A_18 = arith.addi %mul3A_2, %add3A_17 : i32
    "tpu.region"() ({
      %run_scoped3A = tpu.sem_alloc : memref<!tpu.dma_semaphore, #tpu.memory_space<semaphore_mem>>
      %dma_start3A = arith.constant 0 : i32
      %dma_start3A_34 = arith.constant 0 : i32
      %dma_start3A_35 = tpu.memref_slice %arg9[%dma_start3A, %dma_start3A_34] : memref<128x128xf32, #tpu.memory_space<vmem>> -> memref<120x128xf32, #tpu.memory_space<vmem>>
      %dma_start3A_36 = arith.constant 0 : i32
      %dma_start3A_37 = tpu.memref_slice %arg6[%add3A_18, %dma_start3A_36] : memref<10112x128xf32, #tpu.memory_space<vmem_shared>> -> memref<120x128xf32, #tpu.memory_space<vmem_shared>>
      %dma_start3A_38 = arith.constant 0 : i32
      %dma_start3A_39 = tpu.memref_slice %arg6[%add3A_18, %dma_start3A_38] : memref<10112x128xf32, #tpu.memory_space<vmem_shared>> -> memref<120x128xf32, #tpu.memory_space<vmem_shared>>
      %dma_start3A_40 = arith.constant 0 : i32
      %dma_start3A_41 = arith.constant 0 : i32
      %dma_start3A_42 = tpu.memref_slice %arg9[%dma_start3A_40, %dma_start3A_41] : memref<128x128xf32, #tpu.memory_space<vmem>> -> memref<120x128xf32, #tpu.memory_space<vmem>>
      tpu.enqueue_dma source(%dma_start3A_42 : memref<120x128xf32, #tpu.memory_space<vmem>>) target(%dma_start3A_39 : memref<120x128xf32, #tpu.memory_space<vmem_shared>>) target_semaphore(%run_scoped3A : memref<!tpu.dma_semaphore, #tpu.memory_space<semaphore_mem>>)
      %dma_wait3A = arith.constant 0 : i32
      %dma_wait3A_43 = arith.constant 0 : i32
      %dma_wait3A_44 = tpu.memref_slice %arg9[%dma_wait3A, %dma_wait3A_43] : memref<128x128xf32, #tpu.memory_space<vmem>> -> memref<120x128xf32, #tpu.memory_space<vmem>>
      %dma_wait3A_45 = arith.constant 0 : i32
      %dma_wait3A_46 = tpu.memref_slice %arg6[%add3A_18, %dma_wait3A_45] : memref<10112x128xf32, #tpu.memory_space<vmem_shared>> -> memref<120x128xf32, #tpu.memory_space<vmem_shared>>
      %dma_wait3A_47 = arith.constant 0 : i32
      %dma_wait3A_48 = tpu.memref_slice %arg6[%add3A_18, %dma_wait3A_47] : memref<10112x128xf32, #tpu.memory_space<vmem_shared>> -> memref<120x128xf32, #tpu.memory_space<vmem_shared>>
      %dma_wait3A_49 = arith.constant 0 : i32
      %dma_wait3A_50 = arith.constant 0 : i32
      %dma_wait3A_51 = tpu.memref_slice %arg9[%dma_wait3A_49, %dma_wait3A_50] : memref<128x128xf32, #tpu.memory_space<vmem>> -> memref<120x128xf32, #tpu.memory_space<vmem>>
      tpu.wait_dma2 semaphore(%run_scoped3A : memref<!tpu.dma_semaphore, #tpu.memory_space<semaphore_mem>>) src(%dma_wait3A_51 : memref<120x128xf32, #tpu.memory_space<vmem>>) dst(%dma_wait3A_48 : memref<120x128xf32, #tpu.memory_space<vmem_shared>>)
      tpu.yield
    }) : () -> ()
    %barrier3A = arith.constant 0 : index
    tpu.barrier barrier_id(%barrier3A)
    "tpu.region"() ({
      %run_scoped3A = tpu.sem_alloc : memref<!tpu.dma_semaphore, #tpu.memory_space<semaphore_mem>>
      %dma_start3A = arith.constant 0 : i32
      %dma_start3A_34 = arith.constant 0 : i32
      %dma_start3A_35 = tpu.memref_slice %arg3[%add3A, %dma_start3A, %dma_start3A_34] : memref<32x80x128xi32, #tpu.memory_space<hbm>> -> memref<1x40x128xi32, #tpu.memory_space<hbm>>
      %dma_start3A_36 = tpu.memref_squeeze %dma_start3A_35 : memref<1x40x128xi32, #tpu.memory_space<hbm>> -> memref<40x128xi32, #tpu.memory_space<hbm>>
      %dma_start3A_37 = arith.constant 0 : i32
      %dma_start3A_38 = arith.constant 0 : i32
      %dma_start3A_39 = tpu.memref_slice %arg3[%add3A, %dma_start3A_37, %dma_start3A_38] : memref<32x80x128xi32, #tpu.memory_space<hbm>> -> memref<1x40x128xi32, #tpu.memory_space<hbm>>
      %dma_start3A_40 = tpu.memref_squeeze %dma_start3A_39 : memref<1x40x128xi32, #tpu.memory_space<hbm>> -> memref<40x128xi32, #tpu.memory_space<hbm>>
      tpu.enqueue_dma source(%dma_start3A_40 : memref<40x128xi32, #tpu.memory_space<hbm>>) target(%arg7 : memref<40x128xi32, #tpu.memory_space<vmem>>) target_semaphore(%run_scoped3A : memref<!tpu.dma_semaphore, #tpu.memory_space<semaphore_mem>>)
      %dma_wait3A = arith.constant 0 : i32
      %dma_wait3A_41 = arith.constant 0 : i32
      %dma_wait3A_42 = tpu.memref_slice %arg3[%add3A, %dma_wait3A, %dma_wait3A_41] : memref<32x80x128xi32, #tpu.memory_space<hbm>> -> memref<1x40x128xi32, #tpu.memory_space<hbm>>
      %dma_wait3A_43 = tpu.memref_squeeze %dma_wait3A_42 : memref<1x40x128xi32, #tpu.memory_space<hbm>> -> memref<40x128xi32, #tpu.memory_space<hbm>>
      %dma_wait3A_44 = arith.constant 0 : i32
      %dma_wait3A_45 = arith.constant 0 : i32
      %dma_wait3A_46 = tpu.memref_slice %arg3[%add3A, %dma_wait3A_44, %dma_wait3A_45] : memref<32x80x128xi32, #tpu.memory_space<hbm>> -> memref<1x40x128xi32, #tpu.memory_space<hbm>>
      %dma_wait3A_47 = tpu.memref_squeeze %dma_wait3A_46 : memref<1x40x128xi32, #tpu.memory_space<hbm>> -> memref<40x128xi32, #tpu.memory_space<hbm>>
      tpu.wait_dma2 semaphore(%run_scoped3A : memref<!tpu.dma_semaphore, #tpu.memory_space<semaphore_mem>>) src(%dma_wait3A_47 : memref<40x128xi32, #tpu.memory_space<hbm>>) dst(%arg7 : memref<40x128xi32, #tpu.memory_space<vmem>>)
      tpu.yield
    }) : () -> ()
    "tpu.region"() ({
      %run_scoped3A = tpu.sem_alloc : memref<!tpu.dma_semaphore, #tpu.memory_space<semaphore_mem>>
      %dma_start3A = arith.constant 0 : i32
      %dma_start3A_34 = arith.constant 0 : i32
      %dma_start3A_35 = tpu.memref_slice %arg4[%add3A, %dma_start3A, %dma_start3A_34] : memref<32x80x128xi32, #tpu.memory_space<hbm>> -> memref<1x40x128xi32, #tpu.memory_space<hbm>>
      %dma_start3A_36 = tpu.memref_squeeze %dma_start3A_35 : memref<1x40x128xi32, #tpu.memory_space<hbm>> -> memref<40x128xi32, #tpu.memory_space<hbm>>
      %dma_start3A_37 = arith.constant 0 : i32
      %dma_start3A_38 = arith.constant 0 : i32
      %dma_start3A_39 = tpu.memref_slice %arg4[%add3A, %dma_start3A_37, %dma_start3A_38] : memref<32x80x128xi32, #tpu.memory_space<hbm>> -> memref<1x40x128xi32, #tpu.memory_space<hbm>>
      %dma_start3A_40 = tpu.memref_squeeze %dma_start3A_39 : memref<1x40x128xi32, #tpu.memory_space<hbm>> -> memref<40x128xi32, #tpu.memory_space<hbm>>
      tpu.enqueue_dma source(%dma_start3A_40 : memref<40x128xi32, #tpu.memory_space<hbm>>) target(%arg8 : memref<40x128xi32, #tpu.memory_space<vmem>>) target_semaphore(%run_scoped3A : memref<!tpu.dma_semaphore, #tpu.memory_space<semaphore_mem>>)
      %dma_wait3A = arith.constant 0 : i32
      %dma_wait3A_41 = arith.constant 0 : i32
      %dma_wait3A_42 = tpu.memref_slice %arg4[%add3A, %dma_wait3A, %dma_wait3A_41] : memref<32x80x128xi32, #tpu.memory_space<hbm>> -> memref<1x40x128xi32, #tpu.memory_space<hbm>>
      %dma_wait3A_43 = tpu.memref_squeeze %dma_wait3A_42 : memref<1x40x128xi32, #tpu.memory_space<hbm>> -> memref<40x128xi32, #tpu.memory_space<hbm>>
      %dma_wait3A_44 = arith.constant 0 : i32
      %dma_wait3A_45 = arith.constant 0 : i32
      %dma_wait3A_46 = tpu.memref_slice %arg4[%add3A, %dma_wait3A_44, %dma_wait3A_45] : memref<32x80x128xi32, #tpu.memory_space<hbm>> -> memref<1x40x128xi32, #tpu.memory_space<hbm>>
      %dma_wait3A_47 = tpu.memref_squeeze %dma_wait3A_46 : memref<1x40x128xi32, #tpu.memory_space<hbm>> -> memref<40x128xi32, #tpu.memory_space<hbm>>
      tpu.wait_dma2 semaphore(%run_scoped3A : memref<!tpu.dma_semaphore, #tpu.memory_space<semaphore_mem>>) src(%dma_wait3A_47 : memref<40x128xi32, #tpu.memory_space<hbm>>) dst(%arg8 : memref<40x128xi32, #tpu.memory_space<vmem>>)
      tpu.yield
    }) : () -> ()
    %scan3A_19 = arith.constant 0 : i32
    %scan3A_20 = arith.constant 0 : i32
    %scan3A_21 = arith.constant 20 : i32
    %scan3A_22 = arith.addi %scan3A_20, %scan3A_21 : i32
    %scan3A_23 = arith.constant 1 : i32
    %scan3A_24 = scf.for %scan3A_34 = %scan3A_20 to %scan3A_22 step %scan3A_23 iter_args(%scan3A_35 = %scan3A_19) -> (i32)  : i32 {
      %mul3A_36 = arith.constant 2 : i32
      %mul3A_37 = arith.muli %mul3A_36, %scan3A_34 : i32
      %dma_start3A = arith.constant 0 : i32
      %dma_start3A_38 = tpu.memref_slice %arg7[%mul3A_37, %dma_start3A] : memref<40x128xi32, #tpu.memory_space<vmem>> -> memref<1x128xi32, #tpu.memory_space<vmem>>
      %dma_start3A_39 = tpu.memref_squeeze %dma_start3A_38 : memref<1x128xi32, #tpu.memory_space<vmem>> -> memref<128xi32, #tpu.memory_space<vmem>>
      %dma_start3A_40 = arith.constant 0 : i32
      %dma_start3A_41 = arith.constant 0 : i32
      %dma_start3A_42 = tpu.memref_slice %arg2[%dma_start3A_40, %dma_start3A_41] : memref<10000x128xf32, #tpu.memory_space<hbm>> -> memref<10000x128xf32, #tpu.memory_space<hbm>>
      tpu.enqueue_indirect_dma source(%dma_start3A_42 : memref<10000x128xf32, #tpu.memory_space<hbm>>) target(%arg9 : memref<128x128xf32, #tpu.memory_space<vmem>>) offsets(%dma_start3A_39 : memref<128xi32, #tpu.memory_space<vmem>>) semaphore(%arg11 : memref<!tpu.dma_semaphore, #tpu.memory_space<semaphore_mem>>)
      %add3A_43 = arith.constant 1 : i32
      %add3A_44 = arith.addi %mul3A_37, %add3A_43 : i32
      %dma_start3A_45 = arith.constant 0 : i32
      %dma_start3A_46 = tpu.memref_slice %arg7[%add3A_44, %dma_start3A_45] : memref<40x128xi32, #tpu.memory_space<vmem>> -> memref<1x128xi32, #tpu.memory_space<vmem>>
      %dma_start3A_47 = tpu.memref_squeeze %dma_start3A_46 : memref<1x128xi32, #tpu.memory_space<vmem>> -> memref<128xi32, #tpu.memory_space<vmem>>
      %dma_start3A_48 = arith.constant 0 : i32
      %dma_start3A_49 = arith.constant 0 : i32
      %dma_start3A_50 = tpu.memref_slice %arg2[%dma_start3A_48, %dma_start3A_49] : memref<10000x128xf32, #tpu.memory_space<hbm>> -> memref<10000x128xf32, #tpu.memory_space<hbm>>
      tpu.enqueue_indirect_dma source(%dma_start3A_50 : memref<10000x128xf32, #tpu.memory_space<hbm>>) target(%arg10 : memref<128x128xf32, #tpu.memory_space<vmem>>) offsets(%dma_start3A_47 : memref<128xi32, #tpu.memory_space<vmem>>) semaphore(%arg12 : memref<!tpu.dma_semaphore, #tpu.memory_space<semaphore_mem>>)
      %dma_wait3A = arith.constant 0 : i32
      %dma_wait3A_51 = tpu.memref_slice %arg7[%mul3A_37, %dma_wait3A] : memref<40x128xi32, #tpu.memory_space<vmem>> -> memref<1x128xi32, #tpu.memory_space<vmem>>
      %dma_wait3A_52 = tpu.memref_squeeze %dma_wait3A_51 : memref<1x128xi32, #tpu.memory_space<vmem>> -> memref<128xi32, #tpu.memory_space<vmem>>
      %dma_wait3A_53 = arith.constant 0 : i32
      %dma_wait3A_54 = arith.constant 0 : i32
      %dma_wait3A_55 = tpu.memref_slice %arg2[%dma_wait3A_53, %dma_wait3A_54] : memref<10000x128xf32, #tpu.memory_space<hbm>> -> memref<10000x128xf32, #tpu.memory_space<hbm>>
      tpu.wait_indirect_dma semaphore(%arg11 : memref<!tpu.dma_semaphore, #tpu.memory_space<semaphore_mem>>) src(%dma_wait3A_55 : memref<10000x128xf32, #tpu.memory_space<hbm>>) dst(%arg9 : memref<128x128xf32, #tpu.memory_space<vmem>>)
      "tpu.region"() ({
        %run_scoped3A = tpu.sem_alloc : memref<!tpu.dma_semaphore, #tpu.memory_space<semaphore_mem>>
        %dma_start3A_65 = arith.constant 0 : i32
        %dma_start3A_66 = tpu.memref_slice %arg8[%mul3A_37, %dma_start3A_65] : memref<40x128xi32, #tpu.memory_space<vmem>> -> memref<1x128xi32, #tpu.memory_space<vmem>>
        %dma_start3A_67 = tpu.memref_squeeze %dma_start3A_66 : memref<1x128xi32, #tpu.memory_space<vmem>> -> memref<128xi32, #tpu.memory_space<vmem>>
        %dma_start3A_68 = arith.constant 0 : i32
        %dma_start3A_69 = arith.constant 0 : i32
        %dma_start3A_70 = tpu.memref_slice %arg6[%dma_start3A_68, %dma_start3A_69] : memref<10112x128xf32, #tpu.memory_space<vmem_shared>> -> memref<10112x128xf32, #tpu.memory_space<vmem_shared>>
        tpu.enqueue_indirect_dma source(%arg9 : memref<128x128xf32, #tpu.memory_space<vmem>>) target(%dma_start3A_70 : memref<10112x128xf32, #tpu.memory_space<vmem_shared>>) offsets(%dma_start3A_67 : memref<128xi32, #tpu.memory_space<vmem>>) semaphore(%run_scoped3A : memref<!tpu.dma_semaphore, #tpu.memory_space<semaphore_mem>>) {add = true}
        %dma_wait3A_71 = arith.constant 0 : i32
        %dma_wait3A_72 = tpu.memref_slice %arg8[%mul3A_37, %dma_wait3A_71] : memref<40x128xi32, #tpu.memory_space<vmem>> -> memref<1x128xi32, #tpu.memory_space<vmem>>
        %dma_wait3A_73 = tpu.memref_squeeze %dma_wait3A_72 : memref<1x128xi32, #tpu.memory_space<vmem>> -> memref<128xi32, #tpu.memory_space<vmem>>
        %dma_wait3A_74 = arith.constant 0 : i32
        %dma_wait3A_75 = arith.constant 0 : i32
        %dma_wait3A_76 = tpu.memref_slice %arg6[%dma_wait3A_74, %dma_wait3A_75] : memref<10112x128xf32, #tpu.memory_space<vmem_shared>> -> memref<10112x128xf32, #tpu.memory_space<vmem_shared>>
        tpu.wait_indirect_dma semaphore(%run_scoped3A : memref<!tpu.dma_semaphore, #tpu.memory_space<semaphore_mem>>) src(%arg9 : memref<128x128xf32, #tpu.memory_space<vmem>>) dst(%dma_wait3A_76 : memref<10112x128xf32, #tpu.memory_space<vmem_shared>>)
        tpu.yield
      }) : () -> ()
      %dma_wait3A_56 = arith.constant 0 : i32
      %dma_wait3A_57 = tpu.memref_slice %arg7[%add3A_44, %dma_wait3A_56] : memref<40x128xi32, #tpu.memory_space<vmem>> -> memref<1x128xi32, #tpu.memory_space<vmem>>
      %dma_wait3A_58 = tpu.memref_squeeze %dma_wait3A_57 : memref<1x128xi32, #tpu.memory_space<vmem>> -> memref<128xi32, #tpu.memory_space<vmem>>
      %dma_wait3A_59 = arith.constant 0 : i32
      %dma_wait3A_60 = arith.constant 0 : i32
      %dma_wait3A_61 = tpu.memref_slice %arg2[%dma_wait3A_59, %dma_wait3A_60] : memref<10000x128xf32, #tpu.memory_space<hbm>> -> memref<10000x128xf32, #tpu.memory_space<hbm>>
      tpu.wait_indirect_dma semaphore(%arg12 : memref<!tpu.dma_semaphore, #tpu.memory_space<semaphore_mem>>) src(%dma_wait3A_61 : memref<10000x128xf32, #tpu.memory_space<hbm>>) dst(%arg10 : memref<128x128xf32, #tpu.memory_space<vmem>>)
      %add3A_62 = arith.constant 1 : i32
      %add3A_63 = arith.addi %mul3A_37, %add3A_62 : i32
      "tpu.region"() ({
        %run_scoped3A = tpu.sem_alloc : memref<!tpu.dma_semaphore, #tpu.memory_space<semaphore_mem>>
        %dma_start3A_65 = arith.constant 0 : i32
        %dma_start3A_66 = tpu.memref_slice %arg8[%add3A_63, %dma_start3A_65] : memref<40x128xi32, #tpu.memory_space<vmem>> -> memref<1x128xi32, #tpu.memory_space<vmem>>
        %dma_start3A_67 = tpu.memref_squeeze %dma_start3A_66 : memref<1x128xi32, #tpu.memory_space<vmem>> -> memref<128xi32, #tpu.memory_space<vmem>>
        %dma_start3A_68 = arith.constant 0 : i32
        %dma_start3A_69 = arith.constant 0 : i32
        %dma_start3A_70 = tpu.memref_slice %arg6[%dma_start3A_68, %dma_start3A_69] : memref<10112x128xf32, #tpu.memory_space<vmem_shared>> -> memref<10112x128xf32, #tpu.memory_space<vmem_shared>>
        tpu.enqueue_indirect_dma source(%arg10 : memref<128x128xf32, #tpu.memory_space<vmem>>) target(%dma_start3A_70 : memref<10112x128xf32, #tpu.memory_space<vmem_shared>>) offsets(%dma_start3A_67 : memref<128xi32, #tpu.memory_space<vmem>>) semaphore(%run_scoped3A : memref<!tpu.dma_semaphore, #tpu.memory_space<semaphore_mem>>) {add = true}
        %dma_wait3A_71 = arith.constant 0 : i32
        %dma_wait3A_72 = tpu.memref_slice %arg8[%add3A_63, %dma_wait3A_71] : memref<40x128xi32, #tpu.memory_space<vmem>> -> memref<1x128xi32, #tpu.memory_space<vmem>>
        %dma_wait3A_73 = tpu.memref_squeeze %dma_wait3A_72 : memref<1x128xi32, #tpu.memory_space<vmem>> -> memref<128xi32, #tpu.memory_space<vmem>>
        %dma_wait3A_74 = arith.constant 0 : i32
        %dma_wait3A_75 = arith.constant 0 : i32
        %dma_wait3A_76 = tpu.memref_slice %arg6[%dma_wait3A_74, %dma_wait3A_75] : memref<10112x128xf32, #tpu.memory_space<vmem_shared>> -> memref<10112x128xf32, #tpu.memory_space<vmem_shared>>
        tpu.wait_indirect_dma semaphore(%run_scoped3A : memref<!tpu.dma_semaphore, #tpu.memory_space<semaphore_mem>>) src(%arg10 : memref<128x128xf32, #tpu.memory_space<vmem>>) dst(%dma_wait3A_76 : memref<10112x128xf32, #tpu.memory_space<vmem_shared>>)
        tpu.yield
      }) : () -> ()
      %scan3A_64 = arith.constant 0 : i32
      scf.yield %scan3A_64 : i32
    }
    %scan3A_25 = arith.constant 20 : i32
    "tpu.region"() ({
      %run_scoped3A = tpu.sem_alloc : memref<!tpu.dma_semaphore, #tpu.memory_space<semaphore_mem>>
      %dma_start3A = arith.constant 40 : i32
      %dma_start3A_34 = arith.constant 0 : i32
      %dma_start3A_35 = tpu.memref_slice %arg3[%add3A, %dma_start3A, %dma_start3A_34] : memref<32x80x128xi32, #tpu.memory_space<hbm>> -> memref<1x40x128xi32, #tpu.memory_space<hbm>>
      %dma_start3A_36 = tpu.memref_squeeze %dma_start3A_35 : memref<1x40x128xi32, #tpu.memory_space<hbm>> -> memref<40x128xi32, #tpu.memory_space<hbm>>
      %dma_start3A_37 = arith.constant 40 : i32
      %dma_start3A_38 = arith.constant 0 : i32
      %dma_start3A_39 = tpu.memref_slice %arg3[%add3A, %dma_start3A_37, %dma_start3A_38] : memref<32x80x128xi32, #tpu.memory_space<hbm>> -> memref<1x40x128xi32, #tpu.memory_space<hbm>>
      %dma_start3A_40 = tpu.memref_squeeze %dma_start3A_39 : memref<1x40x128xi32, #tpu.memory_space<hbm>> -> memref<40x128xi32, #tpu.memory_space<hbm>>
      tpu.enqueue_dma source(%dma_start3A_40 : memref<40x128xi32, #tpu.memory_space<hbm>>) target(%arg7 : memref<40x128xi32, #tpu.memory_space<vmem>>) target_semaphore(%run_scoped3A : memref<!tpu.dma_semaphore, #tpu.memory_space<semaphore_mem>>)
      %dma_wait3A = arith.constant 40 : i32
      %dma_wait3A_41 = arith.constant 0 : i32
      %dma_wait3A_42 = tpu.memref_slice %arg3[%add3A, %dma_wait3A, %dma_wait3A_41] : memref<32x80x128xi32, #tpu.memory_space<hbm>> -> memref<1x40x128xi32, #tpu.memory_space<hbm>>
      %dma_wait3A_43 = tpu.memref_squeeze %dma_wait3A_42 : memref<1x40x128xi32, #tpu.memory_space<hbm>> -> memref<40x128xi32, #tpu.memory_space<hbm>>
      %dma_wait3A_44 = arith.constant 40 : i32
      %dma_wait3A_45 = arith.constant 0 : i32
      %dma_wait3A_46 = tpu.memref_slice %arg3[%add3A, %dma_wait3A_44, %dma_wait3A_45] : memref<32x80x128xi32, #tpu.memory_space<hbm>> -> memref<1x40x128xi32, #tpu.memory_space<hbm>>
      %dma_wait3A_47 = tpu.memref_squeeze %dma_wait3A_46 : memref<1x40x128xi32, #tpu.memory_space<hbm>> -> memref<40x128xi32, #tpu.memory_space<hbm>>
      tpu.wait_dma2 semaphore(%run_scoped3A : memref<!tpu.dma_semaphore, #tpu.memory_space<semaphore_mem>>) src(%dma_wait3A_47 : memref<40x128xi32, #tpu.memory_space<hbm>>) dst(%arg7 : memref<40x128xi32, #tpu.memory_space<vmem>>)
      tpu.yield
    }) : () -> ()
    "tpu.region"() ({
      %run_scoped3A = tpu.sem_alloc : memref<!tpu.dma_semaphore, #tpu.memory_space<semaphore_mem>>
      %dma_start3A = arith.constant 40 : i32
      %dma_start3A_34 = arith.constant 0 : i32
      %dma_start3A_35 = tpu.memref_slice %arg4[%add3A, %dma_start3A, %dma_start3A_34] : memref<32x80x128xi32, #tpu.memory_space<hbm>> -> memref<1x40x128xi32, #tpu.memory_space<hbm>>
      %dma_start3A_36 = tpu.memref_squeeze %dma_start3A_35 : memref<1x40x128xi32, #tpu.memory_space<hbm>> -> memref<40x128xi32, #tpu.memory_space<hbm>>
      %dma_start3A_37 = arith.constant 40 : i32
      %dma_start3A_38 = arith.constant 0 : i32
      %dma_start3A_39 = tpu.memref_slice %arg4[%add3A, %dma_start3A_37, %dma_start3A_38] : memref<32x80x128xi32, #tpu.memory_space<hbm>> -> memref<1x40x128xi32, #tpu.memory_space<hbm>>
      %dma_start3A_40 = tpu.memref_squeeze %dma_start3A_39 : memref<1x40x128xi32, #tpu.memory_space<hbm>> -> memref<40x128xi32, #tpu.memory_space<hbm>>
      tpu.enqueue_dma source(%dma_start3A_40 : memref<40x128xi32, #tpu.memory_space<hbm>>) target(%arg8 : memref<40x128xi32, #tpu.memory_space<vmem>>) target_semaphore(%run_scoped3A : memref<!tpu.dma_semaphore, #tpu.memory_space<semaphore_mem>>)
      %dma_wait3A = arith.constant 40 : i32
      %dma_wait3A_41 = arith.constant 0 : i32
      %dma_wait3A_42 = tpu.memref_slice %arg4[%add3A, %dma_wait3A, %dma_wait3A_41] : memref<32x80x128xi32, #tpu.memory_space<hbm>> -> memref<1x40x128xi32, #tpu.memory_space<hbm>>
      %dma_wait3A_43 = tpu.memref_squeeze %dma_wait3A_42 : memref<1x40x128xi32, #tpu.memory_space<hbm>> -> memref<40x128xi32, #tpu.memory_space<hbm>>
      %dma_wait3A_44 = arith.constant 40 : i32
      %dma_wait3A_45 = arith.constant 0 : i32
      %dma_wait3A_46 = tpu.memref_slice %arg4[%add3A, %dma_wait3A_44, %dma_wait3A_45] : memref<32x80x128xi32, #tpu.memory_space<hbm>> -> memref<1x40x128xi32, #tpu.memory_space<hbm>>
      %dma_wait3A_47 = tpu.memref_squeeze %dma_wait3A_46 : memref<1x40x128xi32, #tpu.memory_space<hbm>> -> memref<40x128xi32, #tpu.memory_space<hbm>>
      tpu.wait_dma2 semaphore(%run_scoped3A : memref<!tpu.dma_semaphore, #tpu.memory_space<semaphore_mem>>) src(%dma_wait3A_47 : memref<40x128xi32, #tpu.memory_space<hbm>>) dst(%arg8 : memref<40x128xi32, #tpu.memory_space<vmem>>)
      tpu.yield
    }) : () -> ()
    %scan3A_26 = arith.constant 0 : i32
    %scan3A_27 = arith.constant 0 : i32
    %scan3A_28 = arith.constant 20 : i32
    %scan3A_29 = arith.addi %scan3A_27, %scan3A_28 : i32
    %scan3A_30 = arith.constant 1 : i32
    %scan3A_31 = scf.for %scan3A_34 = %scan3A_27 to %scan3A_29 step %scan3A_30 iter_args(%scan3A_35 = %scan3A_26) -> (i32)  : i32 {
      %mul3A_36 = arith.constant 2 : i32
      %mul3A_37 = arith.muli %mul3A_36, %scan3A_34 : i32
      %dma_start3A = arith.constant 0 : i32
      %dma_start3A_38 = tpu.memref_slice %arg7[%mul3A_37, %dma_start3A] : memref<40x128xi32, #tpu.memory_space<vmem>> -> memref<1x128xi32, #tpu.memory_space<vmem>>
      %dma_start3A_39 = tpu.memref_squeeze %dma_start3A_38 : memref<1x128xi32, #tpu.memory_space<vmem>> -> memref<128xi32, #tpu.memory_space<vmem>>
      %dma_start3A_40 = arith.constant 0 : i32
      %dma_start3A_41 = arith.constant 0 : i32
      %dma_start3A_42 = tpu.memref_slice %arg2[%dma_start3A_40, %dma_start3A_41] : memref<10000x128xf32, #tpu.memory_space<hbm>> -> memref<10000x128xf32, #tpu.memory_space<hbm>>
      tpu.enqueue_indirect_dma source(%dma_start3A_42 : memref<10000x128xf32, #tpu.memory_space<hbm>>) target(%arg9 : memref<128x128xf32, #tpu.memory_space<vmem>>) offsets(%dma_start3A_39 : memref<128xi32, #tpu.memory_space<vmem>>) semaphore(%arg11 : memref<!tpu.dma_semaphore, #tpu.memory_space<semaphore_mem>>)
      %add3A_43 = arith.constant 1 : i32
      %add3A_44 = arith.addi %mul3A_37, %add3A_43 : i32
      %dma_start3A_45 = arith.constant 0 : i32
      %dma_start3A_46 = tpu.memref_slice %arg7[%add3A_44, %dma_start3A_45] : memref<40x128xi32, #tpu.memory_space<vmem>> -> memref<1x128xi32, #tpu.memory_space<vmem>>
      %dma_start3A_47 = tpu.memref_squeeze %dma_start3A_46 : memref<1x128xi32, #tpu.memory_space<vmem>> -> memref<128xi32, #tpu.memory_space<vmem>>
      %dma_start3A_48 = arith.constant 0 : i32
      %dma_start3A_49 = arith.constant 0 : i32
      %dma_start3A_50 = tpu.memref_slice %arg2[%dma_start3A_48, %dma_start3A_49] : memref<10000x128xf32, #tpu.memory_space<hbm>> -> memref<10000x128xf32, #tpu.memory_space<hbm>>
      tpu.enqueue_indirect_dma source(%dma_start3A_50 : memref<10000x128xf32, #tpu.memory_space<hbm>>) target(%arg10 : memref<128x128xf32, #tpu.memory_space<vmem>>) offsets(%dma_start3A_47 : memref<128xi32, #tpu.memory_space<vmem>>) semaphore(%arg12 : memref<!tpu.dma_semaphore, #tpu.memory_space<semaphore_mem>>)
      %dma_wait3A = arith.constant 0 : i32
      %dma_wait3A_51 = tpu.memref_slice %arg7[%mul3A_37, %dma_wait3A] : memref<40x128xi32, #tpu.memory_space<vmem>> -> memref<1x128xi32, #tpu.memory_space<vmem>>
      %dma_wait3A_52 = tpu.memref_squeeze %dma_wait3A_51 : memref<1x128xi32, #tpu.memory_space<vmem>> -> memref<128xi32, #tpu.memory_space<vmem>>
      %dma_wait3A_53 = arith.constant 0 : i32
      %dma_wait3A_54 = arith.constant 0 : i32
      %dma_wait3A_55 = tpu.memref_slice %arg2[%dma_wait3A_53, %dma_wait3A_54] : memref<10000x128xf32, #tpu.memory_space<hbm>> -> memref<10000x128xf32, #tpu.memory_space<hbm>>
      tpu.wait_indirect_dma semaphore(%arg11 : memref<!tpu.dma_semaphore, #tpu.memory_space<semaphore_mem>>) src(%dma_wait3A_55 : memref<10000x128xf32, #tpu.memory_space<hbm>>) dst(%arg9 : memref<128x128xf32, #tpu.memory_space<vmem>>)
      "tpu.region"() ({
        %run_scoped3A = tpu.sem_alloc : memref<!tpu.dma_semaphore, #tpu.memory_space<semaphore_mem>>
        %dma_start3A_65 = arith.constant 0 : i32
        %dma_start3A_66 = tpu.memref_slice %arg8[%mul3A_37, %dma_start3A_65] : memref<40x128xi32, #tpu.memory_space<vmem>> -> memref<1x128xi32, #tpu.memory_space<vmem>>
        %dma_start3A_67 = tpu.memref_squeeze %dma_start3A_66 : memref<1x128xi32, #tpu.memory_space<vmem>> -> memref<128xi32, #tpu.memory_space<vmem>>
        %dma_start3A_68 = arith.constant 0 : i32
        %dma_start3A_69 = arith.constant 0 : i32
        %dma_start3A_70 = tpu.memref_slice %arg6[%dma_start3A_68, %dma_start3A_69] : memref<10112x128xf32, #tpu.memory_space<vmem_shared>> -> memref<10112x128xf32, #tpu.memory_space<vmem_shared>>
        tpu.enqueue_indirect_dma source(%arg9 : memref<128x128xf32, #tpu.memory_space<vmem>>) target(%dma_start3A_70 : memref<10112x128xf32, #tpu.memory_space<vmem_shared>>) offsets(%dma_start3A_67 : memref<128xi32, #tpu.memory_space<vmem>>) semaphore(%run_scoped3A : memref<!tpu.dma_semaphore, #tpu.memory_space<semaphore_mem>>) {add = true}
        %dma_wait3A_71 = arith.constant 0 : i32
        %dma_wait3A_72 = tpu.memref_slice %arg8[%mul3A_37, %dma_wait3A_71] : memref<40x128xi32, #tpu.memory_space<vmem>> -> memref<1x128xi32, #tpu.memory_space<vmem>>
        %dma_wait3A_73 = tpu.memref_squeeze %dma_wait3A_72 : memref<1x128xi32, #tpu.memory_space<vmem>> -> memref<128xi32, #tpu.memory_space<vmem>>
        %dma_wait3A_74 = arith.constant 0 : i32
        %dma_wait3A_75 = arith.constant 0 : i32
        %dma_wait3A_76 = tpu.memref_slice %arg6[%dma_wait3A_74, %dma_wait3A_75] : memref<10112x128xf32, #tpu.memory_space<vmem_shared>> -> memref<10112x128xf32, #tpu.memory_space<vmem_shared>>
        tpu.wait_indirect_dma semaphore(%run_scoped3A : memref<!tpu.dma_semaphore, #tpu.memory_space<semaphore_mem>>) src(%arg9 : memref<128x128xf32, #tpu.memory_space<vmem>>) dst(%dma_wait3A_76 : memref<10112x128xf32, #tpu.memory_space<vmem_shared>>)
        tpu.yield
      }) : () -> ()
      %dma_wait3A_56 = arith.constant 0 : i32
      %dma_wait3A_57 = tpu.memref_slice %arg7[%add3A_44, %dma_wait3A_56] : memref<40x128xi32, #tpu.memory_space<vmem>> -> memref<1x128xi32, #tpu.memory_space<vmem>>
      %dma_wait3A_58 = tpu.memref_squeeze %dma_wait3A_57 : memref<1x128xi32, #tpu.memory_space<vmem>> -> memref<128xi32, #tpu.memory_space<vmem>>
      %dma_wait3A_59 = arith.constant 0 : i32
      %dma_wait3A_60 = arith.constant 0 : i32
      %dma_wait3A_61 = tpu.memref_slice %arg2[%dma_wait3A_59, %dma_wait3A_60] : memref<10000x128xf32, #tpu.memory_space<hbm>> -> memref<10000x128xf32, #tpu.memory_space<hbm>>
      tpu.wait_indirect_dma semaphore(%arg12 : memref<!tpu.dma_semaphore, #tpu.memory_space<semaphore_mem>>) src(%dma_wait3A_61 : memref<10000x128xf32, #tpu.memory_space<hbm>>) dst(%arg10 : memref<128x128xf32, #tpu.memory_space<vmem>>)
      %add3A_62 = arith.constant 1 : i32
      %add3A_63 = arith.addi %mul3A_37, %add3A_62 : i32
      "tpu.region"() ({
        %run_scoped3A = tpu.sem_alloc : memref<!tpu.dma_semaphore, #tpu.memory_space<semaphore_mem>>
        %dma_start3A_65 = arith.constant 0 : i32
        %dma_start3A_66 = tpu.memref_slice %arg8[%add3A_63, %dma_start3A_65] : memref<40x128xi32, #tpu.memory_space<vmem>> -> memref<1x128xi32, #tpu.memory_space<vmem>>
        %dma_start3A_67 = tpu.memref_squeeze %dma_start3A_66 : memref<1x128xi32, #tpu.memory_space<vmem>> -> memref<128xi32, #tpu.memory_space<vmem>>
        %dma_start3A_68 = arith.constant 0 : i32
        %dma_start3A_69 = arith.constant 0 : i32
        %dma_start3A_70 = tpu.memref_slice %arg6[%dma_start3A_68, %dma_start3A_69] : memref<10112x128xf32, #tpu.memory_space<vmem_shared>> -> memref<10112x128xf32, #tpu.memory_space<vmem_shared>>
        tpu.enqueue_indirect_dma source(%arg10 : memref<128x128xf32, #tpu.memory_space<vmem>>) target(%dma_start3A_70 : memref<10112x128xf32, #tpu.memory_space<vmem_shared>>) offsets(%dma_start3A_67 : memref<128xi32, #tpu.memory_space<vmem>>) semaphore(%run_scoped3A : memref<!tpu.dma_semaphore, #tpu.memory_space<semaphore_mem>>) {add = true}
        %dma_wait3A_71 = arith.constant 0 : i32
        %dma_wait3A_72 = tpu.memref_slice %arg8[%add3A_63, %dma_wait3A_71] : memref<40x128xi32, #tpu.memory_space<vmem>> -> memref<1x128xi32, #tpu.memory_space<vmem>>
        %dma_wait3A_73 = tpu.memref_squeeze %dma_wait3A_72 : memref<1x128xi32, #tpu.memory_space<vmem>> -> memref<128xi32, #tpu.memory_space<vmem>>
        %dma_wait3A_74 = arith.constant 0 : i32
        %dma_wait3A_75 = arith.constant 0 : i32
        %dma_wait3A_76 = tpu.memref_slice %arg6[%dma_wait3A_74, %dma_wait3A_75] : memref<10112x128xf32, #tpu.memory_space<vmem_shared>> -> memref<10112x128xf32, #tpu.memory_space<vmem_shared>>
        tpu.wait_indirect_dma semaphore(%run_scoped3A : memref<!tpu.dma_semaphore, #tpu.memory_space<semaphore_mem>>) src(%arg10 : memref<128x128xf32, #tpu.memory_space<vmem>>) dst(%dma_wait3A_76 : memref<10112x128xf32, #tpu.memory_space<vmem_shared>>)
        tpu.yield
      }) : () -> ()
      %scan3A_64 = arith.constant 0 : i32
      scf.yield %scan3A_64 : i32
    }
    %scan3A_32 = arith.constant 20 : i32
    %barrier3A_33 = arith.constant 0 : index
    tpu.barrier barrier_id(%barrier3A_33)
    "tpu.region"() ({
      %run_scoped3A = tpu.sem_alloc : memref<!tpu.dma_semaphore, #tpu.memory_space<semaphore_mem>>
      %dma_start3A = arith.constant 0 : i32
      %dma_start3A_34 = tpu.memref_slice %arg5[%arg0, %mul3A_2, %dma_start3A] : memref<2x10112x128xf32, #tpu.memory_space<hbm>> -> memref<1x632x128xf32, #tpu.memory_space<hbm>>
      %dma_start3A_35 = tpu.memref_squeeze %dma_start3A_34 : memref<1x632x128xf32, #tpu.memory_space<hbm>> -> memref<632x128xf32, #tpu.memory_space<hbm>>
      %dma_start3A_36 = arith.constant 0 : i32
      %dma_start3A_37 = tpu.memref_slice %arg6[%mul3A_2, %dma_start3A_36] : memref<10112x128xf32, #tpu.memory_space<vmem_shared>> -> memref<632x128xf32, #tpu.memory_space<vmem_shared>>
      tpu.enqueue_dma source(%dma_start3A_37 : memref<632x128xf32, #tpu.memory_space<vmem_shared>>) target(%dma_start3A_35 : memref<632x128xf32, #tpu.memory_space<hbm>>) target_semaphore(%run_scoped3A : memref<!tpu.dma_semaphore, #tpu.memory_space<semaphore_mem>>)
      %dma_wait3A = arith.constant 0 : i32
      %dma_wait3A_38 = tpu.memref_slice %arg5[%arg0, %mul3A_2, %dma_wait3A] : memref<2x10112x128xf32, #tpu.memory_space<hbm>> -> memref<1x632x128xf32, #tpu.memory_space<hbm>>
      %dma_wait3A_39 = tpu.memref_squeeze %dma_wait3A_38 : memref<1x632x128xf32, #tpu.memory_space<hbm>> -> memref<632x128xf32, #tpu.memory_space<hbm>>
      %dma_wait3A_40 = arith.constant 0 : i32
      %dma_wait3A_41 = tpu.memref_slice %arg6[%mul3A_2, %dma_wait3A_40] : memref<10112x128xf32, #tpu.memory_space<vmem_shared>> -> memref<632x128xf32, #tpu.memory_space<vmem_shared>>
      tpu.wait_dma2 semaphore(%run_scoped3A : memref<!tpu.dma_semaphore, #tpu.memory_space<semaphore_mem>>) src(%dma_wait3A_41 : memref<632x128xf32, #tpu.memory_space<vmem_shared>>) dst(%dma_wait3A_39 : memref<632x128xf32, #tpu.memory_space<hbm>>)
      tpu.yield
    }) : () -> ()
    return
  }
}

module attributes {stable_mosaic.version = 14 : i64} {
  func.func @_mm_body(%arg0: i32, %arg1: memref<2x1000x128xf32, #tpu.memory_space<vmem>>, %arg2: memref<128x128xf32, #tpu.memory_space<vmem>>, %arg3: memref<1x128xf32, #tpu.memory_space<vmem>>, %arg4: memref<1000x128xf32, #tpu.memory_space<vmem>>) attributes {dimension_semantics = [#tpu.dimension_semantics<arbitrary>], iteration_bounds = array<i64: 10>, scalar_prefetch = 0 : i64, scratch_operands = 0 : i64, tpu.core_type = #tpu.core_type<tc>, window_params = [{transform_indices = @transform_0, window_bounds = array<i64: 2, 1000, 128>}, {pipeline_mode = #tpu.pipeline_mode<synchronous>, transform_indices = @transform_1, window_bounds = array<i64: 128, 128>}, {pipeline_mode = #tpu.pipeline_mode<synchronous>, transform_indices = @transform_2, window_bounds = array<i64: 1, 128>}, {transform_indices = @transform_3, window_bounds = array<i64: 1000, 128>}]} {
    %get3A = arith.constant 0 : index
    %get3A_0 = arith.constant 0 : index
    %get3A_1 = arith.constant 0 : index
    %get3A_2 = vector.load %arg1[%get3A, %get3A_0, %get3A_1] : memref<2x1000x128xf32, #tpu.memory_space<vmem>>, vector<1x1000x128xf32>
    %get3A_3 = vector.shape_cast %get3A_2 : vector<1x1000x128xf32> to vector<1000x128xf32>
    %get3A_4 = arith.constant 1 : index
    %get3A_5 = arith.constant 0 : index
    %get3A_6 = arith.constant 0 : index
    %get3A_7 = vector.load %arg1[%get3A_4, %get3A_5, %get3A_6] : memref<2x1000x128xf32, #tpu.memory_space<vmem>>, vector<1x1000x128xf32>
    %get3A_8 = vector.shape_cast %get3A_7 : vector<1x1000x128xf32> to vector<1000x128xf32>
    %add3A = arith.addf %get3A_3, %get3A_8 : vector<1000x128xf32>
    %get3A_9 = arith.constant 0 : index
    %get3A_10 = arith.constant 0 : index
    %get3A_11 = vector.load %arg2[%get3A_9, %get3A_10] : memref<128x128xf32, #tpu.memory_space<vmem>>, vector<128x128xf32>
    %dot_general3A = arith.constant dense<0.000000e+00> : vector<1000x128xf32>
    %dot_general3A_12 = tpu.matmul %add3A, %get3A_11, %dot_general3A {dimension_numbers = #tpu.dot_dimension_numbers<[1], [0], [0], [1], [0, 0, 1, 1], [], []>, transpose_lhs_hint = false} : vector<1000x128xf32>, vector<128x128xf32>, vector<1000x128xf32> -> vector<1000x128xf32>
    %get3A_13 = arith.constant 0 : index
    %get3A_14 = arith.constant 0 : index
    %get3A_15 = vector.load %arg3[%get3A_13, %get3A_14] : memref<1x128xf32, #tpu.memory_space<vmem>>, vector<1x128xf32>
    %add3A_16 = vector.broadcast %get3A_15 : vector<1x128xf32> to vector<1000x128xf32>
    %add3A_17 = arith.addf %dot_general3A_12, %add3A_16 : vector<1000x128xf32>
    %max3A = arith.constant 0.000000e+00 : f32
    %max3A_18 = vector.broadcast %max3A : f32 to vector<1000x128xf32>
    %max3A_19 = arith.maximumf %add3A_17, %max3A_18 : vector<1000x128xf32>
    %swap3A = arith.constant 0 : index
    %swap3A_20 = arith.constant 0 : index
    %swap3A_21 = vector.load %arg4[%swap3A, %swap3A_20] : memref<1000x128xf32, #tpu.memory_space<vmem>>, vector<1000x128xf32>
    tpu.vector_store %arg4[%swap3A, %swap3A_20], %max3A_19 {strides = array<i32>} : memref<1000x128xf32, #tpu.memory_space<vmem>>, vector<1000x128xf32>,
    return
  }
  func.func @transform_0(%arg0: i32) -> (i32, i32, i32) {
    %c0_i32 = arith.constant 0 : i32
    %c0_i32_0 = arith.constant 0 : i32
    %c0_i32_1 = arith.constant 0 : i32
    return %c0_i32, %arg0, %c0_i32_0 : i32, i32, i32
  }
  func.func @transform_1(%arg0: i32) -> (i32, i32) {
    %c0_i32 = arith.constant 0 : i32
    %c0_i32_0 = arith.constant 0 : i32
    %c0_i32_1 = arith.constant 0 : i32
    return %c0_i32, %c0_i32_0 : i32, i32
  }
  func.func @transform_2(%arg0: i32) -> (i32, i32) {
    %c0_i32 = arith.constant 0 : i32
    %c0_i32_0 = arith.constant 0 : i32
    %c0_i32_1 = arith.constant 0 : i32
    return %c0_i32, %c0_i32_0 : i32, i32
  }
  func.func @transform_3(%arg0: i32) -> (i32, i32) {
    %c0_i32 = arith.constant 0 : i32
    %c0_i32_0 = arith.constant 0 : i32
    return %arg0, %c0_i32 : i32, i32
  }
}

module attributes {stable_mosaic.version = 14 : i64} {
  func.func @_mm_body(%arg0: i32, %arg1: memref<2x1000x128xf32, #tpu.memory_space<vmem>>, %arg2: memref<128x128xf32, #tpu.memory_space<vmem>>, %arg3: memref<1x128xf32, #tpu.memory_space<vmem>>, %arg4: memref<1000x128xf32, #tpu.memory_space<vmem>>) attributes {dimension_semantics = [#tpu.dimension_semantics<arbitrary>], iteration_bounds = array<i64: 10>, scalar_prefetch = 0 : i64, scratch_operands = 0 : i64, tpu.core_type = #tpu.core_type<tc>, window_params = [{transform_indices = @transform_0, window_bounds = array<i64: 2, 1000, 128>}, {pipeline_mode = #tpu.pipeline_mode<synchronous>, transform_indices = @transform_1, window_bounds = array<i64: 128, 128>}, {pipeline_mode = #tpu.pipeline_mode<synchronous>, transform_indices = @transform_2, window_bounds = array<i64: 1, 128>}, {transform_indices = @transform_3, window_bounds = array<i64: 1000, 128>}]} {
    %get3A = arith.constant 0 : index
    %get3A_0 = arith.constant 0 : index
    %get3A_1 = arith.constant 0 : index
    %get3A_2 = vector.load %arg1[%get3A, %get3A_0, %get3A_1] : memref<2x1000x128xf32, #tpu.memory_space<vmem>>, vector<1x1000x128xf32>
    %get3A_3 = vector.shape_cast %get3A_2 : vector<1x1000x128xf32> to vector<1000x128xf32>
    %get3A_4 = arith.constant 1 : index
    %get3A_5 = arith.constant 0 : index
    %get3A_6 = arith.constant 0 : index
    %get3A_7 = vector.load %arg1[%get3A_4, %get3A_5, %get3A_6] : memref<2x1000x128xf32, #tpu.memory_space<vmem>>, vector<1x1000x128xf32>
    %get3A_8 = vector.shape_cast %get3A_7 : vector<1x1000x128xf32> to vector<1000x128xf32>
    %add3A = arith.addf %get3A_3, %get3A_8 : vector<1000x128xf32>
    %get3A_9 = arith.constant 0 : index
    %get3A_10 = arith.constant 0 : index
    %get3A_11 = vector.load %arg2[%get3A_9, %get3A_10] : memref<128x128xf32, #tpu.memory_space<vmem>>, vector<128x128xf32>
    %dot_general3A = arith.constant dense<0.000000e+00> : vector<1000x128xf32>
    %dot_general3A_12 = tpu.matmul %add3A, %get3A_11, %dot_general3A {dimension_numbers = #tpu.dot_dimension_numbers<[1], [0], [0], [1], [0, 0, 1, 1], [], []>, transpose_lhs_hint = false} : vector<1000x128xf32>, vector<128x128xf32>, vector<1000x128xf32> -> vector<1000x128xf32>
    %get3A_13 = arith.constant 0 : index
    %get3A_14 = arith.constant 0 : index
    %get3A_15 = vector.load %arg3[%get3A_13, %get3A_14] : memref<1x128xf32, #tpu.memory_space<vmem>>, vector<1x128xf32>
    %add3A_16 = vector.broadcast %get3A_15 : vector<1x128xf32> to vector<1000x128xf32>
    %add3A_17 = arith.addf %dot_general3A_12, %add3A_16 : vector<1000x128xf32>
    %swap3A = arith.constant 0 : index
    %swap3A_18 = arith.constant 0 : index
    %swap3A_19 = vector.load %arg4[%swap3A, %swap3A_18] : memref<1000x128xf32, #tpu.memory_space<vmem>>, vector<1000x128xf32>
    tpu.vector_store %arg4[%swap3A, %swap3A_18], %add3A_17 {strides = array<i32>} : memref<1000x128xf32, #tpu.memory_space<vmem>>, vector<1000x128xf32>,
    return
  }
  func.func @transform_0(%arg0: i32) -> (i32, i32, i32) {
    %c0_i32 = arith.constant 0 : i32
    %c0_i32_0 = arith.constant 0 : i32
    %c0_i32_1 = arith.constant 0 : i32
    return %c0_i32, %arg0, %c0_i32_0 : i32, i32, i32
  }
  func.func @transform_1(%arg0: i32) -> (i32, i32) {
    %c0_i32 = arith.constant 0 : i32
    %c0_i32_0 = arith.constant 0 : i32
    %c0_i32_1 = arith.constant 0 : i32
    return %c0_i32, %c0_i32_0 : i32, i32
  }
  func.func @transform_2(%arg0: i32) -> (i32, i32) {
    %c0_i32 = arith.constant 0 : i32
    %c0_i32_0 = arith.constant 0 : i32
    %c0_i32_1 = arith.constant 0 : i32
    return %c0_i32, %c0_i32_0 : i32, i32
  }
  func.func @transform_3(%arg0: i32) -> (i32, i32) {
    %c0_i32 = arith.constant 0 : i32
    %c0_i32_0 = arith.constant 0 : i32
    return %arg0, %c0_i32 : i32, i32
  }
}

</mosaic_0001>

<sc_bundles>
// kernel: kernel.6.cloned.1.call-start
scs
__scs_entry_jumppad:
0x0: {  	(pc) =	sbr.rel $0x88, $3  }
0x1: {  	(tag) =	ssettag $0x0;
	lr =	simm.s32 $0x1  }
0x2: {  	[smem:$0x3F9B] =	sst lr;
	_ =	strace $0xD0000000  }
0x3: {  	_ = 	snop  }
0x4: {  	_ = 	snop  }
0x5: {  	_ = 	snop  }
0x6: {  	_ = 	snop  }
0x7: {  	_ = 	snop  }
__scs_overlays_trampoline_lowered:
0x8: {  	[smem:$0x3FAA] =	sst s0  }
0x9: {  	[smem:$0x3FAB] =	sst s1  }
0xa: {  	[smem:$0x3FAC] =	sst s2  }
0xb: {  	[smem:$0x3FAD] =	sst s3  }
0xc: {  	[smem:$0x3FAE] =	sst s4  }
0xd: {  	[smem:$0x3FAF] =	sst s5  }
0xe: {  	[smem:$0x3FB0] =	sst s6  }
0xf: {  	[smem:$0x3FB1] =	sst s7  }
0x10: {  	[smem:$0x3FB2] =	sst s8  }
0x11: {  	[smem:$0x3FB3] =	sst s9;
	s0 =	simm.s32 @!p0 $0x0  }
0x12: {  	s1 =	sld [smem:$0x3F99];
	s0 =	simm.s32 @p0 $0x1  }
0x13: {  	[smem:$0x3FB4] =	sst s0;
	s0 =	simm.s32 @!p1 $0x0  }
0x14: {  	s2 =	sld [smem:$0x3F98];
	s0 =	simm.s32 @p1 $0x1  }
0x15: {  	[smem:$0x3FB5] =	sst s0;
	s0 =	simm.s32 @!p2 $0x0  }
0x16: {  	s3 =	sld [smem:$0x3FDB];
	s0 =	simm.s32 @p2 $0x1  }
0x17: {  	s4 =	simm.s32 $0x1BF5;
	[smem:$0x3FB7] =	sst s0  }
0x18: {  	s0 =	sld [smem:$0x3F9A];
	_ =	swait.ge [sflag:s4], $0x0  }
0x19: {  	s7 =	sld [smem:$0x3F9B]  }
0x1a: {  	s8 =	sadd.s32 $0xFFFFE003, lr  }
0x1b: {  	s9 =	sadd.s32 $0xFFFFFEF7, lr;
	s5 =	simm.s32 $0xFFFFFFFF;
	p2 =	slt.u32 s8, $0xFFFFF086  }
0x1c: {  	p1 =	slt.u32 s9, $0xF7A;
	s5 =	simm.s32 @!p2 $0x0  }
0x1d: {  	s5 =	simm.s32 @p1 $0x1;
	p0 =	seq.s32 s7, s2  }
0x1e: {  	s7 =	smul.u32 @!p0 $0xF7A, s2;
	p2 =	seq.s32 @!p0 s5, $0x0  }
0x1f: {  	s9 =	smul.u32 $0xF7A, s1;
	s8 =	simm.s32 @!p0 $0x1BF5;
	p2 =	por !p2, p0  }
0x20: {  	[sflag:s8] =	ssyncset.s32 @!p0 $0xFFFFF086;
	s6 =	sadd.s32 @!p0 s3, s7;
	s7 =	simm.s32 @!p0 $0x108  }
0x21: {  	s3 =	sadd.s32 s3, s9;
	s6 =	sadd.s32 @!p0 $0x88, s6;
	s7 =	simm.s32 @p2 $0x1082  }
0x22: {  	[simem:s7], [sflag:s8] =	dma.local @!p0 [hbm:s6], $0xF7A  }
0x23: {  	s9 =	sor.u32 $0xD0000000, s2;
	s6 =	simm.s32 $0x108;
	_ =	swait.ge @!p0 [sflag:s8], $0x0  }
0x24: {  	s3 =	sadd.s32 $0x88, s3;
	s6 =	simm.s32 @!p1 $0x1082;
	[sflag:s4] =	ssyncset.s32 $0xFFFFF086  }
0x25: {  	[simem:s6], [sflag:s4] =	dma.local [hbm:s3], $0xF7A  }
0x26: {  	[smem:$0x3F9B] =	sst s1;
	(tag) =	ssettag s2;
	_ =	strace s9  }
0x27: {  	s1 =	sld [smem:$0x3FAB]  }
0x28: {  	s2 =	sld [smem:$0x3FAC]  }
0x29: {  	s4 =	sld [smem:$0x3FAE]  }
0x2a: {  	p0 =	seq.s32 s5, $0x0;
	s5 =	sld [smem:$0x3FAF]  }
0x2b: {  	s6 =	sld [smem:$0x3FB0]  }
0x2c: {  	s7 =	sld [smem:$0x3FB1]  }
0x2d: {  	s3 =	simm.s32 $0x108;
	s8 =	sld [smem:$0x3FB2]  }
0x2e: {  	s3 =	simm.s32 @!p0 $0x1082;
	s9 =	sld [smem:$0x3FB3]  }
0x2f: {  	lr =	sadd.s32 s0, s3;
	s0 =	sld [smem:$0x3FAA]  }
0x30: {  	s3 =	sld [smem:$0x3FAD]  }
0x31: {  	[smem:$0x3FB6] =	sst s10  }
0x32: {  	s10 =	sld [smem:$0x3FB4];
	_ =	sdelay $0x3  }
0x33: {  	p0 =	seq.s32 s10, $0x1;
	s10 =	sld [smem:$0x3FB6];
	_ =	sdelay $0x3  }
0x34: {  	[smem:$0x3FB6] =	sst s10  }
0x35: {  	s10 =	sld [smem:$0x3FB5];
	_ =	sdelay $0x3  }
0x36: {  	p1 =	seq.s32 s10, $0x1;
	s10 =	sld [smem:$0x3FB6];
	_ =	sdelay $0x3  }
0x37: {  	[smem:$0x3FB6] =	sst s10  }
0x38: {  	s10 =	sld [smem:$0x3FB7]  }
0x39: {  	_ = 	snop;
	(pc) =	sbr.ind lr, $3  }
0x3a: {  	_ = 	snop  }
0x3b: {  	_ = 	snop  }
0x3c: {  	p2 =	seq.s32 s10, $0x1;
	s10 =	sld [smem:$0x3FB6]  }
0x3d: {  	_ =	shalt  }
0x3e: {  	_ =	shalt  }
0x3f: {  	_ =	shalt  }
0x40: {  	_ =	shalt  }
0x41: {  	_ =	shalt  }
0x42: {  	_ =	shalt  }
0x43: {  	_ =	shalt  }
0x44: {  	_ =	shalt  }
0x45: {  	_ =	shalt  }
0x46: {  	_ =	shalt  }
0x47: {  	_ =	shalt  }
0x48: {  	_ =	shalt  }
0x49: {  	_ =	shalt  }
0x4a: {  	_ =	shalt  }
0x4b: {  	_ =	shalt  }
0x4c: {  	_ =	shalt  }
0x4d: {  	_ =	shalt  }
0x4e: {  	_ =	shalt  }
0x4f: {  	_ =	shalt  }
0x50: {  	_ =	shalt  }
0x51: {  	_ =	shalt  }
0x52: {  	_ =	shalt  }
0x53: {  	_ =	shalt  }
0x54: {  	_ =	shalt  }
0x55: {  	_ =	shalt  }
0x56: {  	_ =	shalt  }
0x57: {  	_ =	shalt  }
0x58: {  	_ =	shalt  }
0x59: {  	_ =	shalt  }
0x5a: {  	_ =	shalt  }
0x5b: {  	_ =	shalt  }
0x5c: {  	_ =	shalt  }
0x5d: {  	_ =	shalt  }
0x5e: {  	_ =	shalt  }
0x5f: {  	_ =	shalt  }
0x60: {  	_ =	shalt  }
0x61: {  	_ =	shalt  }
0x62: {  	_ =	shalt  }
0x63: {  	_ =	shalt  }
0x64: {  	_ =	shalt  }
0x65: {  	_ =	shalt  }
0x66: {  	_ =	shalt  }
0x67: {  	_ =	shalt  }
0x68: {  	_ =	shalt  }
0x69: {  	_ =	shalt  }
0x6a: {  	_ =	shalt  }
0x6b: {  	_ =	shalt  }
0x6c: {  	_ =	shalt  }
0x6d: {  	_ =	shalt  }
0x6e: {  	_ =	shalt  }
0x6f: {  	_ =	shalt  }
0x70: {  	_ =	shalt  }
0x71: {  	_ =	shalt  }
0x72: {  	_ =	shalt  }
0x73: {  	_ =	shalt  }
0x74: {  	_ =	shalt  }
0x75: {  	_ =	shalt  }
0x76: {  	_ =	shalt  }
0x77: {  	_ =	shalt  }
0x78: {  	_ =	shalt  }
0x79: {  	_ =	shalt  }
0x7a: {  	_ =	shalt  }
0x7b: {  	_ =	shalt  }
0x7c: {  	_ =	shalt  }
0x7d: {  	_ =	shalt  }
0x7e: {  	_ =	shalt  }
0x7f: {  	_ =	shalt  }
0x80: {  	_ =	shalt  }
0x81: {  	_ =	shalt  }
0x82: {  	_ =	shalt  }
0x83: {  	_ =	shalt  }
0x84: {  	_ =	shalt  }
0x85: {  	_ =	shalt  }
0x86: {  	_ =	shalt  }
0x87: {  	_ =	shalt  }
.Lfunc_end0:
.L_simem_size_0:
called_computation_lowered:
.L_overlay_start_0:
0x88: {  	s2 =	sld [smem:$0x3FD9]  }
0x89: {  	s3 =	sld [smem:$0x3FFE];
	_ =	sdelay $0x1  }
0x8a: {  	s1 =	srdreg.scid  }
0x8b: {  	s0 =	sand.u32 $0x1, s1  }
0x8c: {  	s17 =	sshll.u32 s0, $0xA;
	s2 =	sadd.s32 s3, s2  }
0x8d: {  	s2 =	sadd.s32 s2, s17  }
0x8e: {  	[smem:$0x3FC2] =	sst s2  }
0x8f: {  	_ = 	snop  }
0x90: {  	s2 =	sld [smem:$0x3FC9];
	(tm) =	ssettm $0x1  }
0x91: {  	s18 =	sld [smem:$0x3FFB];
	_ =	sdelay $0x3  }
0x92: {  	_ =	strace s18  }
0x93: {  	s3 =	sld [smem:$0x3FFC];
	_ =	sdelay $0x3  }
0x94: {  	_ =	strace s3  }
0x95: {  	s3 =	sld [smem:$0x3FFD];
	_ =	sdelay $0x3  }
0x96: {  	_ =	strace s3  }
0x97: {  	_ =	strace $0x8FFFFFFF  }
0x98: {  	s19 =	sld [smem:$0x3FDB];
	_ =	sdelay $0x1  }
0x99: {  	s4 =	simm.s32 $_scs_section_size  }
0x9a: {  	s5 =	simm.s32 $_size__tile_overlayer_lowered;
	s6 =	simm.s32 $_tile_overlayer_lowered  }
0x9b: {  	s22 =	simm.s32 $0x1BFF;
	s21 =	sshll.u32 s6, $0x1;
	s3 =	sadd.s32 s4, s19  }
0x9c: {  	s7 =	simm.s32 $0x0;
	s20 =	sshll.u32 s5, $0x1;
	s5 =	sadd.s32 s21, s3  }
0x9d: {  	[timem:s7], [sflag:s22] =	dma.local [hbm:s5], s20  }
0x9e: {  	_ =	swait.ge [sflag:s22], s20  }
0x9f: {  	s4 =	ssub.s32 $0x0, s20;
	[sflag:s22] =	ssyncset.done $0x0  }
0xa0: {  	[sflag:s22] =	ssyncadd.s32 s4;
	_ =	sdelay $0x1  }
0xa1: {  	s23 =	simm.s32 $0x1B8B  }
0xa2: {  	_ =	swait.ge [sflag:s23], $0x1  }
0xa3: {  	[sflag:s23] =	ssyncset.done $0x0  }
0xa4: {  	s25 =	simm.s32 $0x1B8E;
	s24 =	sld [smem:$0x3FFE];
	[sflag:s23] =	ssyncadd.s32 $0xFFFFFFFF  }
0xa5: {  	s26 =	simm.s32 $execute0_lowered;
	[smem:$0x3FD2] =	sst s25  }
0xa6: {  	s5 =	sshll.u32 s26, $0x1;
	_ =	strace $0x80000046;
	[dreg:$0x1] =	wrdreg $0xFFFFFFFF  }
0xa7: {  	s28 =	simm.s32 $_size_execute0_lowered;
	s3 =	sadd.s32 s3, s5;
	[dreg:$0x0] =	wrdreg $0x0  }
0xa8: {  	s5 =	sshll.u32 s28, $0x1;
	[dreg:$0x2] =	wrdreg s3  }
0xa9: {  	[dreg:$0x3] =	wrdreg s5  }
0xaa: {  	[dreg:$0x4] =	wrdreg $0xC0  }
0xab: {  	_ =	task [dreg:s7], $0x5FFFF  }
0xac: {  	[dreg:$0x1] =	wrdreg $0xFFFFFFFF  }
0xad: {  	[dreg:$0x0] =	wrdreg $0x60  }
0xae: {  	[dreg:$0x2] =	wrdreg s2  }
0xaf: {  	[dreg:$0x3] =	wrdreg s24  }
0xb0: {  	[dreg:$0x4] =	wrdreg $0x0  }
0xb1: {  	[dreg:$0x5] =	wrdreg $0x9  }
0xb2: {  	_ =	task.clear_ibuf [dreg:s7], $0x6FFFF;
	_ =	strace $0x90000046  }
0xb3: {  	s29 =	simm.s32 $0x9;
	_ =	strace $0x80000048  }
0xb4: {  	_ =	swait.ge [sflag:s29], $0x1  }
0xb5: {  	[sflag:s29] =	ssyncadd.s32 $0xFFFFFFFF  }
0xb6: {  	_ =	strace $0x90000048  }
0xb7: {  	_ =	sfence  }
0xb8: {  	s30 =	sld [smem:$0x0];
	_ =	sdelay $0x2  }
0xb9: {  	s31 =	sshll.u32 s1, $0xD;
	s1 =	sshrl.u32 s1, $0x2  }
0xba: {  	s3 =	sand.u32 $0x4000, s31;
	s1 =	sadd.s32 s1, s30  }
0xbb: {  	s0 =	sor.u32 s3, s0;
	s1 =	sshll.u32 s1, $0x11  }
0xbc: {  	s0 =	sor.u32 s1, s0  }
0xbd: {  	s0 =	sadd.s32 $0x8F2B, s0  }
0xbe: {  	[sflag:s0] =	ssyncadd.remote.s32 $0x1  }
0xbf: {  	_ =	sfence.sel $0xFFFF  }
0xc0: {  	[dreg:$0x0] =	wrdreg $0xFFFFFFFF;
	(pc) =	sbr.abs _section_cstart, $3  }
0xc1: {  	[dreg:$0x1] =	wrdreg $0xFFFFFFFF  }
0xc2: {  	_ =	task.clear_ibuf [dreg:s7], $0x2FFFF;
	_ =	strace $0x9FFFFFFF  }
0xc3: {  	(tm) =	ssettm $0x7FFFFFFF  }
tec
execute0_lowered:
.L_overlay_start_1:
0x0: {  	(tag) =	ssettag $0x1  }
0x1: {  	s0 =	rddreg [dreg:$0x0]  }
0x2: {  	s5 =	rddreg [dreg:$0x1]  }
0x3: {  	s1 =	srdreg.scid;
	s3 =	rddreg [dreg:$0x2]  }
0x4: {  	s2 =	stileid.u32;
	s4 =	simm.s32 $0x0;
	s17 =	simm.s32 $0x3  }
0x5: {  	s18 =	simm.s32 $0x13C00;
	s19 =	simm.s32 $0x15000;
	s20 =	simm.s32 $0x80  }
0x6: {  	s21 =	simm.s32 $0x1A400;
	s22 =	simm.s32 $0x1;
	s23 =	simm.s32 $0x2  }
0x7: {  	s6 =	sand.u32 $0x1, s1;
	s1 =	rddreg [dreg:$0x3];
	s8 =	smul.u32 $0x13C00, s2  }
0x8: {  	[smem:$0x7FF] =	sst s4;
	s12 =	sadd.s32 $0x1000, s5;
	s26 =	smul.u32 $0x4F000, s2  }
0x9: {  	s13 =	sadd.s32 $0xB000, s5;
	s7 =	smul.u32 $0x13C000, s6;
	s28 =	sshll.u32 s6, $0x4  }
0xa: {  	_ =	strace $0x80000047;
	s6 =	ssub.s32 $0x2, s6;
	s29 =	sor.u32 s2, s28  }
0xb: {  	s30 =	sshrl.u32 s26, $0x2;
	s31 =	sshrl.u32 s6, $0x1;
	s7 =	sadd.s32 s8, s7  }
0xc: {  	s10 =	smul.u32 $0x2800, s29;
	s15 =	ssub.s32 s6, s31;
	s7 =	sshrl.u32 s7, $0x3  }
0xd: {  	s15 =	smax.u32 s15, $0x1;
	s14 =	sadd.s32 s7, s5;
	s5 =	sadd.s32 s30, s3  }
0xe: {  	s16 =	sshrl.u32 s10, $0x3;
	s6 =	sadd.s32 $0x4000, s5;
	s7 =	sadd.s32 $0x8000, s5  }
0xf: {  	s8 =	sadd.s32 $0xC000, s5;
	s9 =	sadd.s32 $0x10000, s5;
	s10 =	sadd.s32 s12, s16  }
0x10: {  	s11 =	sadd.s32 s13, s16;
	s16 =	sadd.s32 $0x280, s16;
	s14 =	sadd.s32 $0x15000, s14  }
0x11: {  	v0 =	vimm.f32 $0.0e+00;
	s12 =	sadd.s32 s12, s16;
	s13 =	sadd.s32 s13, s16;
	s16 =	simm.s32 $0x16400  }
.LBB2_1:
0x12: {  	s24 =	simm.s32 $0x0;
	s25 =	simm.s32 $0x200  }
.LBB2_2:
0x13: {  	p0 =	sne.s32 s25, $0xFE00;
	[tilespmem:s24+$0x16470] =	vst v0  }
0x14: {  	[tilespmem:s24+$0x16400] =	vst v0  }
0x15: {  	[tilespmem:s24+$0x16410] =	vst v0  }
.Ltmp0:
0x16: {  	[tilespmem:s24+$0x16420] =	vst v0;
	(pc) =	sbr.rel @p0 .LBB2_2-.Ltmp0, $4  }
0x17: {  	[tilespmem:s24+$0x16430] =	vst v0  }
0x18: {  	[tilespmem:s24+$0x16440] =	vst v0  }
0x19: {  	[tilespmem:s24+$0x16450] =	vst v0  }
0x1a: {  	[tilespmem:s24+$0x16460] =	vst v0;
	s24 =	sshra.s32 s25, $0x2;
	s25 =	sadd.s32 $0x200, s25  }
0x1b: {  	[tilespmem:s24+$0x16470] =	vst v0  }
0x1c: {  	[tilespmem:s24+$0x16400] =	vst v0  }
0x1d: {  	[tilespmem:s24+$0x16410] =	vst v0  }
0x1e: {  	[tilespmem:s24+$0x16420] =	vst v0  }
0x1f: {  	[tilespmem:s24+$0x16430] =	vst v0  }
0x20: {  	[tilespmem:s24+$0x16440] =	vst v0  }
0x21: {  	[tilespmem:s24+$0x16450] =	vst v0  }
0x22: {  	[tilespmem:s24+$0x16460] =	vst v0  }
0x23: {  	[spmem:s5] =	stream.linear.scatter [tilespmem:s16], [sflag:$0x3], $0x4000, $0x38;
	[tilespmem:$0x1E400] =	vst v63  }
0x24: {  	_ =	swait.ge [sflag:s17], $0x4000  }
0x25: {  	[sflag:s17] =	ssyncset.done $0x0  }
0x26: {  	[sflag:s17] =	ssyncadd.s32 $0xFFFFC000  }
0x27: {  	[spmem:s6] =	stream.linear.scatter [tilespmem:s16], [sflag:$0x3], $0x4000, $0x38;
	[tilespmem:$0x1E400] =	vst v63  }
0x28: {  	_ =	swait.ge [sflag:s17], $0x4000  }
0x29: {  	[sflag:s17] =	ssyncset.done $0x0  }
0x2a: {  	[sflag:s17] =	ssyncadd.s32 $0xFFFFC000  }
0x2b: {  	[spmem:s7] =	stream.linear.scatter [tilespmem:s16], [sflag:$0x3], $0x4000, $0x38;
	[tilespmem:$0x1E400] =	vst v63  }
0x2c: {  	_ =	swait.ge [sflag:s17], $0x4000  }
0x2d: {  	[sflag:s17] =	ssyncset.done $0x0  }
0x2e: {  	[sflag:s17] =	ssyncadd.s32 $0xFFFFC000  }
0x2f: {  	[spmem:s8] =	stream.linear.scatter [tilespmem:s16], [sflag:$0x3], $0x4000, $0x38;
	[tilespmem:$0x1E400] =	vst v63  }
0x30: {  	_ =	swait.ge [sflag:s17], $0x4000  }
0x31: {  	[sflag:s17] =	ssyncset.done $0x0  }
0x32: {  	[sflag:s17] =	ssyncadd.s32 $0xFFFFC000  }
0x33: {  	[spmem:s9] =	stream.linear.scatter [tilespmem:s16], [sflag:$0x3], $0x3C00, $0x38;
	[tilespmem:$0x1E400] =	vst v63  }
0x34: {  	_ =	swait.ge [sflag:s17], $0x3C00  }
0x35: {  	[sflag:s17] =	ssyncset.done $0x0  }
0x36: {  	[sflag:s17] =	ssyncadd.s32 $0xFFFFC400  }
0x37: {  	s26 =	simm.s32 $0x0;
	[bflag:$0x0] =	sbarrier.arrive $0xFFFF  }
0x38: {  	[tilespmem:s18], [sflag:$0x3] =	stream.linear.gather [hbm4b:s10+s26], $0x1400, $0x38;
	[tilespmem:$0x1E400] =	vst v63  }
0x39: {  	_ =	swait.ge [sflag:s17], $0x1400  }
0x3a: {  	[sflag:s17] =	ssyncset.done $0x0  }
0x3b: {  	[sflag:s17] =	ssyncadd.s32 $0xFFFFEC00  }
0x3c: {  	[tilespmem:s19], [sflag:$0x3] =	stream.linear.gather [hbm4b:s11+s26], $0x1400, $0x38;
	[tilespmem:$0x1E400] =	vst v63  }
0x3d: {  	_ =	swait.ge [sflag:s17], $0x1400  }
0x3e: {  	[sflag:s17] =	ssyncset.done $0x0  }
0x3f: {  	s28 =	simm.s32 $0x13C00;
	[sflag:s17] =	ssyncadd.s32 $0xFFFFEC00  }
0x40: {  	[tilespmem:s16], [sflag:$0x1] =	stream.indirect.gather [hbm4b:s0+s20], $0x80, s28, s20, $0xb8;
	[tilespmem:$0x1E400] =	vst v63  }
0x41: {  	s29 =	simm.s32 $0x13C80  }
0x42: {  	[tilespmem:s21], [sflag:$0x2] =	stream.indirect.gather [hbm4b:s0+s20], $0x80, s29, s20, $0xb8;
	[tilespmem:$0x1E400] =	vst v63  }
0x43: {  	_ =	swait.ge [sflag:s22], $0x4000  }
0x44: {  	[sflag:s22] =	ssyncset.done $0x0  }
0x45: {  	s30 =	simm.s32 $0x15000;
	[sflag:s22] =	ssyncadd.s32 $0xFFFFC000  }
0x46: {  	[spmem:s3] =	stream.indirect.scatter.add.f32 [tilespmem:s16], [sflag:$0x3], $0x80, s30, s20, $0xb8;
	[tilespmem:$0x1E400] =	vst v63  }
0x47: {  	_ =	swait.ge [sflag:s17], $0x4000  }
0x48: {  	[sflag:s17] =	ssyncset.done $0x0  }
0x49: {  	[sflag:s17] =	ssyncadd.s32 $0xFFFFC000  }
0x4a: {  	_ =	swait.ge [sflag:s23], $0x4000  }
0x4b: {  	[sflag:s23] =	ssyncset.done $0x0  }
0x4c: {  	s31 =	simm.s32 $0x15080;
	[sflag:s23] =	ssyncadd.s32 $0xFFFFC000  }
0x4d: {  	[spmem:s3] =	stream.indirect.scatter.add.f32 [tilespmem:s21], [sflag:$0x3], $0x80, s31, s20, $0xb8;
	[tilespmem:$0x1E400] =	vst v63  }
0x4e: {  	_ =	swait.ge [sflag:s17], $0x4000  }
0x4f: {  	s25 =	simm.s32 $0x800;
	s24 =	simm.s32 $0x100;
	[sflag:s17] =	ssyncset.done $0x0  }
.LBB2_4:
0x50: {  	s26 =	sadd.s32 $0x13C00, s24  }
0x51: {  	[sflag:s17] =	ssyncadd.s32 $0xFFFFC000;
	s28 =	smov.u32 s25;
	s29 =	sadd.s32 $0x400, s25  }
0x52: {  	[tilespmem:s16], [sflag:$0x1] =	stream.indirect.gather [hbm4b:s0+s20], $0x80, s26, s20, $0xb8;
	[tilespmem:$0x1E400] =	vst v63  }
0x53: {  	p0 =	sne.s32 s25, $0x4C00;
	s25 =	sadd.s32 $0x13C80, s24  }
0x54: {  	[tilespmem:s21], [sflag:$0x2] =	stream.indirect.gather [hbm4b:s0+s20], $0x80, s25, s20, $0xb8;
	[tilespmem:$0x1E400] =	vst v63  }
0x55: {  	_ =	swait.ge [sflag:s22], $0x4000  }
0x56: {  	[sflag:s22] =	ssyncset.done $0x0  }
0x57: {  	s25 =	sadd.s32 $0x15000, s24;
	[sflag:s22] =	ssyncadd.s32 $0xFFFFC000  }
0x58: {  	[spmem:s3] =	stream.indirect.scatter.add.f32 [tilespmem:s16], [sflag:$0x3], $0x80, s25, s20, $0xb8;
	[tilespmem:$0x1E400] =	vst v63  }
0x59: {  	_ =	swait.ge [sflag:s17], $0x4000  }
0x5a: {  	[sflag:s17] =	ssyncset.done $0x0  }
0x5b: {  	[sflag:s17] =	ssyncadd.s32 $0xFFFFC000  }
0x5c: {  	_ =	swait.ge [sflag:s23], $0x4000  }
.Ltmp1:
0x5d: {  	[sflag:s23] =	ssyncset.done $0x0;
	(pc) =	sbr.rel @p0 .LBB2_4-.Ltmp1, $4  }
0x5e: {  	s24 =	sadd.s32 $0x15080, s24;
	[sflag:s23] =	ssyncadd.s32 $0xFFFFC000  }
0x5f: {  	[spmem:s3] =	stream.indirect.scatter.add.f32 [tilespmem:s21], [sflag:$0x3], $0x80, s24, s20, $0xb8;
	[tilespmem:$0x1E400] =	vst v63  }
0x60: {  	_ =	swait.ge [sflag:s17], $0x4000  }
0x61: {  	s25 =	smov.u32 s29;
	s24 =	sshra.s32 s28, $0x2;
	[sflag:s17] =	ssyncset.done $0x0  }
0x62: {  	s25 =	sadd.s32 $0x13C00, s24;
	[sflag:s17] =	ssyncadd.s32 $0xFFFFC000  }
0x63: {  	[tilespmem:s16], [sflag:$0x1] =	stream.indirect.gather [hbm4b:s0+s20], $0x80, s25, s20, $0xb8;
	[tilespmem:$0x1E400] =	vst v63  }
0x64: {  	s30 =	sadd.s32 $0x13C80, s24  }
0x65: {  	[tilespmem:s21], [sflag:$0x2] =	stream.indirect.gather [hbm4b:s0+s20], $0x80, s30, s20, $0xb8;
	[tilespmem:$0x1E400] =	vst v63  }
0x66: {  	_ =	swait.ge [sflag:s22], $0x4000  }
0x67: {  	[sflag:s22] =	ssyncset.done $0x0  }
0x68: {  	s31 =	sadd.s32 $0x15000, s24;
	[sflag:s22] =	ssyncadd.s32 $0xFFFFC000  }
0x69: {  	[spmem:s3] =	stream.indirect.scatter.add.f32 [tilespmem:s16], [sflag:$0x3], $0x80, s31, s20, $0xb8;
	[tilespmem:$0x1E400] =	vst v63  }
0x6a: {  	_ =	swait.ge [sflag:s17], $0x4000  }
0x6b: {  	[sflag:s17] =	ssyncset.done $0x0  }
0x6c: {  	[sflag:s17] =	ssyncadd.s32 $0xFFFFC000  }
0x6d: {  	_ =	swait.ge [sflag:s23], $0x4000  }
0x6e: {  	[sflag:s23] =	ssyncset.done $0x0  }
0x6f: {  	s25 =	sadd.s32 $0x15080, s24;
	[sflag:s23] =	ssyncadd.s32 $0xFFFFC000  }
0x70: {  	[spmem:s3] =	stream.indirect.scatter.add.f32 [tilespmem:s21], [sflag:$0x3], $0x80, s25, s20, $0xb8;
	[tilespmem:$0x1E400] =	vst v63  }
0x71: {  	_ =	swait.ge [sflag:s17], $0x4000  }
0x72: {  	[sflag:s17] =	ssyncset.done $0x0  }
0x73: {  	s26 =	simm.s32 $0x0;
	[sflag:s17] =	ssyncadd.s32 $0xFFFFC000  }
0x74: {  	[tilespmem:s18], [sflag:$0x3] =	stream.linear.gather [hbm4b:s12+s26], $0x1400, $0x38;
	[tilespmem:$0x1E400] =	vst v63  }
0x75: {  	_ =	swait.ge [sflag:s17], $0x1400  }
0x76: {  	[sflag:s17] =	ssyncset.done $0x0  }
0x77: {  	[sflag:s17] =	ssyncadd.s32 $0xFFFFEC00  }
0x78: {  	[tilespmem:s19], [sflag:$0x3] =	stream.linear.gather [hbm4b:s13+s26], $0x1400, $0x38;
	[tilespmem:$0x1E400] =	vst v63  }
0x79: {  	_ =	swait.ge [sflag:s17], $0x1400  }
0x7a: {  	[sflag:s17] =	ssyncset.done $0x0  }
0x7b: {  	s28 =	simm.s32 $0x13C00;
	[sflag:s17] =	ssyncadd.s32 $0xFFFFEC00  }
0x7c: {  	[tilespmem:s16], [sflag:$0x1] =	stream.indirect.gather [hbm4b:s0+s20], $0x80, s28, s20, $0xb8;
	[tilespmem:$0x1E400] =	vst v63  }
0x7d: {  	s29 =	simm.s32 $0x13C80  }
0x7e: {  	[tilespmem:s21], [sflag:$0x2] =	stream.indirect.gather [hbm4b:s0+s20], $0x80, s29, s20, $0xb8;
	[tilespmem:$0x1E400] =	vst v63  }
0x7f: {  	_ =	swait.ge [sflag:s22], $0x4000  }
0x80: {  	[sflag:s22] =	ssyncset.done $0x0  }
0x81: {  	s30 =	simm.s32 $0x15000;
	[sflag:s22] =	ssyncadd.s32 $0xFFFFC000  }
0x82: {  	[spmem:s3] =	stream.indirect.scatter.add.f32 [tilespmem:s16], [sflag:$0x3], $0x80, s30, s20, $0xb8;
	[tilespmem:$0x1E400] =	vst v63  }
0x83: {  	_ =	swait.ge [sflag:s17], $0x4000  }
0x84: {  	[sflag:s17] =	ssyncset.done $0x0  }
0x85: {  	[sflag:s17] =	ssyncadd.s32 $0xFFFFC000  }
0x86: {  	_ =	swait.ge [sflag:s23], $0x4000  }
0x87: {  	[sflag:s23] =	ssyncset.done $0x0  }
0x88: {  	s31 =	simm.s32 $0x15080;
	[sflag:s23] =	ssyncadd.s32 $0xFFFFC000  }
0x89: {  	[spmem:s3] =	stream.indirect.scatter.add.f32 [tilespmem:s21], [sflag:$0x3], $0x80, s31, s20, $0xb8;
	[tilespmem:$0x1E400] =	vst v63  }
0x8a: {  	_ =	swait.ge [sflag:s17], $0x4000  }
0x8b: {  	s24 =	simm.s32 $0x100;
	s25 =	simm.s32 $0x800;
	[sflag:s17] =	ssyncset.done $0x0  }
.LBB2_6:
0x8c: {  	s26 =	sadd.s32 $0x13C00, s24  }
0x8d: {  	[sflag:s17] =	ssyncadd.s32 $0xFFFFC000;
	s28 =	smov.u32 s25;
	s29 =	sadd.s32 $0x400, s25  }
0x8e: {  	[tilespmem:s16], [sflag:$0x1] =	stream.indirect.gather [hbm4b:s0+s20], $0x80, s26, s20, $0xb8;
	[tilespmem:$0x1E400] =	vst v63  }
0x8f: {  	p0 =	sne.s32 s25, $0x4C00;
	s25 =	sadd.s32 $0x13C80, s24  }
0x90: {  	[tilespmem:s21], [sflag:$0x2] =	stream.indirect.gather [hbm4b:s0+s20], $0x80, s25, s20, $0xb8;
	[tilespmem:$0x1E400] =	vst v63  }
0x91: {  	_ =	swait.ge [sflag:s22], $0x4000  }
0x92: {  	[sflag:s22] =	ssyncset.done $0x0  }
0x93: {  	s25 =	sadd.s32 $0x15000, s24;
	[sflag:s22] =	ssyncadd.s32 $0xFFFFC000  }
0x94: {  	[spmem:s3] =	stream.indirect.scatter.add.f32 [tilespmem:s16], [sflag:$0x3], $0x80, s25, s20, $0xb8;
	[tilespmem:$0x1E400] =	vst v63  }
0x95: {  	_ =	swait.ge [sflag:s17], $0x4000  }
0x96: {  	[sflag:s17] =	ssyncset.done $0x0  }
0x97: {  	[sflag:s17] =	ssyncadd.s32 $0xFFFFC000  }
0x98: {  	_ =	swait.ge [sflag:s23], $0x4000  }
.Ltmp2:
0x99: {  	[sflag:s23] =	ssyncset.done $0x0;
	(pc) =	sbr.rel @p0 .LBB2_6-.Ltmp2, $4  }
0x9a: {  	s24 =	sadd.s32 $0x15080, s24;
	[sflag:s23] =	ssyncadd.s32 $0xFFFFC000  }
0x9b: {  	[spmem:s3] =	stream.indirect.scatter.add.f32 [tilespmem:s21], [sflag:$0x3], $0x80, s24, s20, $0xb8;
	[tilespmem:$0x1E400] =	vst v63  }
0x9c: {  	_ =	swait.ge [sflag:s17], $0x4000  }
0x9d: {  	s25 =	smov.u32 s29;
	s24 =	sshra.s32 s28, $0x2;
	[sflag:s17] =	ssyncset.done $0x0  }
0x9e: {  	s25 =	sadd.s32 $0x13C00, s24;
	[sflag:s17] =	ssyncadd.s32 $0xFFFFC000  }
0x9f: {  	[tilespmem:s16], [sflag:$0x1] =	stream.indirect.gather [hbm4b:s0+s20], $0x80, s25, s20, $0xb8;
	[tilespmem:$0x1E400] =	vst v63  }
0xa0: {  	s26 =	sadd.s32 $0x13C80, s24  }
0xa1: {  	[tilespmem:s21], [sflag:$0x2] =	stream.indirect.gather [hbm4b:s0+s20], $0x80, s26, s20, $0xb8;
	[tilespmem:$0x1E400] =	vst v63  }
0xa2: {  	_ =	swait.ge [sflag:s22], $0x4000  }
0xa3: {  	[sflag:s22] =	ssyncset.done $0x0  }
0xa4: {  	s28 =	sadd.s32 $0x15000, s24;
	[sflag:s22] =	ssyncadd.s32 $0xFFFFC000  }
0xa5: {  	[spmem:s3] =	stream.indirect.scatter.add.f32 [tilespmem:s16], [sflag:$0x3], $0x80, s28, s20, $0xb8;
	[tilespmem:$0x1E400] =	vst v63  }
0xa6: {  	_ =	swait.ge [sflag:s17], $0x4000  }
0xa7: {  	[sflag:s17] =	ssyncset.done $0x0  }
0xa8: {  	[sflag:s17] =	ssyncadd.s32 $0xFFFFC000  }
0xa9: {  	_ =	swait.ge [sflag:s23], $0x4000  }
0xaa: {  	[sflag:s23] =	ssyncset.done $0x0  }
0xab: {  	s29 =	sadd.s32 $0x15080, s24;
	[sflag:s23] =	ssyncadd.s32 $0xFFFFC000  }
0xac: {  	[spmem:s3] =	stream.indirect.scatter.add.f32 [tilespmem:s21], [sflag:$0x3], $0x80, s29, s20, $0xb8;
	[tilespmem:$0x1E400] =	vst v63  }
0xad: {  	_ =	swait.ge [sflag:s17], $0x4000  }
0xae: {  	s30 =	sshll.u32 s2, $0x6;
	s4 =	sadd.s32 $0x1, s4;
	[sflag:s17] =	ssyncset.done $0x0  }
0xaf: {  	s31 =	sshrl.u32 s5, $0x3;
	p0 =	sne.s32 s4, s15;
	[sflag:s17] =	ssyncadd.s32 $0xFFFFC000  }
.Ltmp3:
0xb0: {  	s24 =	sor.u32 $0x1C03, s30;
	[bflag:$0x0] =	sbarrier.arrive $0xFFFF;
	(pc) =	sbr.rel @p0 .LBB2_1-.Ltmp3, $4  }
0xb1: {  	[hbm:s14], [sflag:s24] =	dma.local [spmem:s31], $0x2780  }
0xb2: {  	_ =	swait.ge [sflag:s17], $0x2780  }
0xb3: {  	[sflag:s17] =	ssyncset.done $0x0  }
0xb4: {  	[sflag:s17] =	ssyncadd.s32 $0xFFFFD880  }
0xb5: {  	_ =	sfence.sel $0x180000  }
0xb6: {  	[bflag:$0x0] =	sbarrier.arrive $0xFFFF  }
0xb7: {  	p0 =	sne.s32 s2, $0x0;
	_ =	strace $0x90000047  }
0xb8: {  	s0 =	sadd.s32 @!p0 $0x100000, s1;
	[bflag:$0x2] =	sbarrier.arrive $0xFFFF  }
0xb9: {  	[sflag:s0] =	ssyncadd.tile.s32 @!p0 $0x1;
	_ =	shalt  }
.Lfunc_end2:
_tile_overlayer_lowered:
.L_overlay_start_2:
0xba: {  	(tag) =	ssettag $0x2  }
0xbb: {  	s0 =	rddreg [dreg:$0x0];
	s2 =	stileid.u32  }
0xbc: {  	s1 =	rddreg [dreg:$0x1];
	p0 =	sne.s32 s2, $0x0  }
0xbd: {  	s3 =	rddreg [dreg:$0x2];
	[bflag:$0x3] =	sbarrier.arrive $0xFFFF;
	s2 =	simm.s32 @!p0 $0x1C03  }
0xbe: {  	[timem:s3], [sflag:s2] =	dma.local @!p0 [hbm:s0], s1  }
0xbf: {  	s0 =	simm.s32 @!p0 $0x3  }
0xc0: {  	_ =	swait.ge @!p0 [sflag:s0], s1  }
0xc1: {  	s1 =	ssub.s32 @!p0 $0x0, s1;
	[sflag:s0] =	ssyncset.done @!p0 $0x0  }
0xc2: {  	[sflag:s0] =	ssyncadd.s32 @!p0 s1  }
0xc3: {  	[bflag:$0x3] =	sbarrier.arrive $0xFFFF  }
0xc4: {  	_ =	shalt  }

// kernel: kernel.9.cloned.1.call-start
scs
__scs_entry_jumppad:
0x0: {  	(pc) =	sbr.rel $0x88, $3  }
0x1: {  	(tag) =	ssettag $0x0;
	lr =	simm.s32 $0x1  }
0x2: {  	[smem:$0x3F9B] =	sst lr;
	_ =	strace $0xD0000000  }
0x3: {  	_ = 	snop  }
0x4: {  	_ = 	snop  }
0x5: {  	_ = 	snop  }
0x6: {  	_ = 	snop  }
0x7: {  	_ = 	snop  }
__scs_overlays_trampoline_lowered:
0x8: {  	[smem:$0x3FAA] =	sst s0  }
0x9: {  	[smem:$0x3FAB] =	sst s1  }
0xa: {  	[smem:$0x3FAC] =	sst s2  }
0xb: {  	[smem:$0x3FAD] =	sst s3  }
0xc: {  	[smem:$0x3FAE] =	sst s4  }
0xd: {  	[smem:$0x3FAF] =	sst s5  }
0xe: {  	[smem:$0x3FB0] =	sst s6  }
0xf: {  	[smem:$0x3FB1] =	sst s7  }
0x10: {  	[smem:$0x3FB2] =	sst s8  }
0x11: {  	[smem:$0x3FB3] =	sst s9;
	s0 =	simm.s32 @!p0 $0x0  }
0x12: {  	s1 =	sld [smem:$0x3F99];
	s0 =	simm.s32 @p0 $0x1  }
0x13: {  	[smem:$0x3FB4] =	sst s0;
	s0 =	simm.s32 @!p1 $0x0  }
0x14: {  	s2 =	sld [smem:$0x3F98];
	s0 =	simm.s32 @p1 $0x1  }
0x15: {  	[smem:$0x3FB5] =	sst s0;
	s0 =	simm.s32 @!p2 $0x0  }
0x16: {  	s3 =	sld [smem:$0x3FDB];
	s0 =	simm.s32 @p2 $0x1  }
0x17: {  	s4 =	simm.s32 $0x1BF5;
	[smem:$0x3FB7] =	sst s0  }
0x18: {  	s0 =	sld [smem:$0x3F9A];
	_ =	swait.ge [sflag:s4], $0x0  }
0x19: {  	s7 =	sld [smem:$0x3F9B]  }
0x1a: {  	s8 =	sadd.s32 $0xFFFFE003, lr  }
0x1b: {  	s9 =	sadd.s32 $0xFFFFFEF7, lr;
	s5 =	simm.s32 $0xFFFFFFFF;
	p2 =	slt.u32 s8, $0xFFFFF086  }
0x1c: {  	p1 =	slt.u32 s9, $0xF7A;
	s5 =	simm.s32 @!p2 $0x0  }
0x1d: {  	s5 =	simm.s32 @p1 $0x1;
	p0 =	seq.s32 s7, s2  }
0x1e: {  	s7 =	smul.u32 @!p0 $0xF7A, s2;
	p2 =	seq.s32 @!p0 s5, $0x0  }
0x1f: {  	s9 =	smul.u32 $0xF7A, s1;
	s8 =	simm.s32 @!p0 $0x1BF5;
	p2 =	por !p2, p0  }
0x20: {  	[sflag:s8] =	ssyncset.s32 @!p0 $0xFFFFF086;
	s6 =	sadd.s32 @!p0 s3, s7;
	s7 =	simm.s32 @!p0 $0x108  }
0x21: {  	s3 =	sadd.s32 s3, s9;
	s6 =	sadd.s32 @!p0 $0x88, s6;
	s7 =	simm.s32 @p2 $0x1082  }
0x22: {  	[simem:s7], [sflag:s8] =	dma.local @!p0 [hbm:s6], $0xF7A  }
0x23: {  	s9 =	sor.u32 $0xD0000000, s2;
	s6 =	simm.s32 $0x108;
	_ =	swait.ge @!p0 [sflag:s8], $0x0  }
0x24: {  	s3 =	sadd.s32 $0x88, s3;
	s6 =	simm.s32 @!p1 $0x1082;
	[sflag:s4] =	ssyncset.s32 $0xFFFFF086  }
0x25: {  	[simem:s6], [sflag:s4] =	dma.local [hbm:s3], $0xF7A  }
0x26: {  	[smem:$0x3F9B] =	sst s1;
	(tag) =	ssettag s2;
	_ =	strace s9  }
0x27: {  	s1 =	sld [smem:$0x3FAB]  }
0x28: {  	s2 =	sld [smem:$0x3FAC]  }
0x29: {  	s4 =	sld [smem:$0x3FAE]  }
0x2a: {  	p0 =	seq.s32 s5, $0x0;
	s5 =	sld [smem:$0x3FAF]  }
0x2b: {  	s6 =	sld [smem:$0x3FB0]  }
0x2c: {  	s7 =	sld [smem:$0x3FB1]  }
0x2d: {  	s3 =	simm.s32 $0x108;
	s8 =	sld [smem:$0x3FB2]  }
0x2e: {  	s3 =	simm.s32 @!p0 $0x1082;
	s9 =	sld [smem:$0x3FB3]  }
0x2f: {  	lr =	sadd.s32 s0, s3;
	s0 =	sld [smem:$0x3FAA]  }
0x30: {  	s3 =	sld [smem:$0x3FAD]  }
0x31: {  	[smem:$0x3FB6] =	sst s10  }
0x32: {  	s10 =	sld [smem:$0x3FB4];
	_ =	sdelay $0x3  }
0x33: {  	p0 =	seq.s32 s10, $0x1;
	s10 =	sld [smem:$0x3FB6];
	_ =	sdelay $0x3  }
0x34: {  	[smem:$0x3FB6] =	sst s10  }
0x35: {  	s10 =	sld [smem:$0x3FB5];
	_ =	sdelay $0x3  }
0x36: {  	p1 =	seq.s32 s10, $0x1;
	s10 =	sld [smem:$0x3FB6];
	_ =	sdelay $0x3  }
0x37: {  	[smem:$0x3FB6] =	sst s10  }
0x38: {  	s10 =	sld [smem:$0x3FB7]  }
0x39: {  	_ = 	snop;
	(pc) =	sbr.ind lr, $3  }
0x3a: {  	_ = 	snop  }
0x3b: {  	_ = 	snop  }
0x3c: {  	p2 =	seq.s32 s10, $0x1;
	s10 =	sld [smem:$0x3FB6]  }
0x3d: {  	_ =	shalt  }
0x3e: {  	_ =	shalt  }
0x3f: {  	_ =	shalt  }
0x40: {  	_ =	shalt  }
0x41: {  	_ =	shalt  }
0x42: {  	_ =	shalt  }
0x43: {  	_ =	shalt  }
0x44: {  	_ =	shalt  }
0x45: {  	_ =	shalt  }
0x46: {  	_ =	shalt  }
0x47: {  	_ =	shalt  }
0x48: {  	_ =	shalt  }
0x49: {  	_ =	shalt  }
0x4a: {  	_ =	shalt  }
0x4b: {  	_ =	shalt  }
0x4c: {  	_ =	shalt  }
0x4d: {  	_ =	shalt  }
0x4e: {  	_ =	shalt  }
0x4f: {  	_ =	shalt  }
0x50: {  	_ =	shalt  }
0x51: {  	_ =	shalt  }
0x52: {  	_ =	shalt  }
0x53: {  	_ =	shalt  }
0x54: {  	_ =	shalt  }
0x55: {  	_ =	shalt  }
0x56: {  	_ =	shalt  }
0x57: {  	_ =	shalt  }
0x58: {  	_ =	shalt  }
0x59: {  	_ =	shalt  }
0x5a: {  	_ =	shalt  }
0x5b: {  	_ =	shalt  }
0x5c: {  	_ =	shalt  }
0x5d: {  	_ =	shalt  }
0x5e: {  	_ =	shalt  }
0x5f: {  	_ =	shalt  }
0x60: {  	_ =	shalt  }
0x61: {  	_ =	shalt  }
0x62: {  	_ =	shalt  }
0x63: {  	_ =	shalt  }
0x64: {  	_ =	shalt  }
0x65: {  	_ =	shalt  }
0x66: {  	_ =	shalt  }
0x67: {  	_ =	shalt  }
0x68: {  	_ =	shalt  }
0x69: {  	_ =	shalt  }
0x6a: {  	_ =	shalt  }
0x6b: {  	_ =	shalt  }
0x6c: {  	_ =	shalt  }
0x6d: {  	_ =	shalt  }
0x6e: {  	_ =	shalt  }
0x6f: {  	_ =	shalt  }
0x70: {  	_ =	shalt  }
0x71: {  	_ =	shalt  }
0x72: {  	_ =	shalt  }
0x73: {  	_ =	shalt  }
0x74: {  	_ =	shalt  }
0x75: {  	_ =	shalt  }
0x76: {  	_ =	shalt  }
0x77: {  	_ =	shalt  }
0x78: {  	_ =	shalt  }
0x79: {  	_ =	shalt  }
0x7a: {  	_ =	shalt  }
0x7b: {  	_ =	shalt  }
0x7c: {  	_ =	shalt  }
0x7d: {  	_ =	shalt  }
0x7e: {  	_ =	shalt  }
0x7f: {  	_ =	shalt  }
0x80: {  	_ =	shalt  }
0x81: {  	_ =	shalt  }
0x82: {  	_ =	shalt  }
0x83: {  	_ =	shalt  }
0x84: {  	_ =	shalt  }
0x85: {  	_ =	shalt  }
0x86: {  	_ =	shalt  }
0x87: {  	_ =	shalt  }
.Lfunc_end0:
.L_simem_size_0:
called_computation.1_lowered:
.L_overlay_start_0:
0x88: {  	s2 =	sld [smem:$0x3FD9]  }
0x89: {  	s3 =	sld [smem:$0x3FFE];
	_ =	sdelay $0x1  }
0x8a: {  	s1 =	srdreg.scid  }
0x8b: {  	s0 =	sand.u32 $0x1, s1  }
0x8c: {  	s17 =	sshll.u32 s0, $0xA;
	s2 =	sadd.s32 s3, s2  }
0x8d: {  	s2 =	sadd.s32 s2, s17  }
0x8e: {  	[smem:$0x3FC2] =	sst s2  }
0x8f: {  	_ = 	snop  }
0x90: {  	s2 =	sld [smem:$0x3FD0];
	(tm) =	ssettm $0x1  }
0x91: {  	s18 =	sld [smem:$0x3FFB];
	_ =	sdelay $0x3  }
0x92: {  	_ =	strace s18  }
0x93: {  	s3 =	sld [smem:$0x3FFC];
	_ =	sdelay $0x3  }
0x94: {  	_ =	strace s3  }
0x95: {  	s3 =	sld [smem:$0x3FFD];
	_ =	sdelay $0x3  }
0x96: {  	_ =	strace s3  }
0x97: {  	_ =	strace $0x8FFFFFFF  }
0x98: {  	s19 =	sld [smem:$0x3FDB];
	_ =	sdelay $0x1  }
0x99: {  	s4 =	simm.s32 $_scs_section_size  }
0x9a: {  	s5 =	simm.s32 $_size__tile_overlayer_lowered;
	s6 =	simm.s32 $_tile_overlayer_lowered  }
0x9b: {  	s22 =	simm.s32 $0x1BFF;
	s21 =	sshll.u32 s6, $0x1;
	s3 =	sadd.s32 s4, s19  }
0x9c: {  	s7 =	simm.s32 $0x0;
	s20 =	sshll.u32 s5, $0x1;
	s5 =	sadd.s32 s21, s3  }
0x9d: {  	[timem:s7], [sflag:s22] =	dma.local [hbm:s5], s20  }
0x9e: {  	_ =	swait.ge [sflag:s22], s20  }
0x9f: {  	s4 =	ssub.s32 $0x0, s20;
	[sflag:s22] =	ssyncset.done $0x0  }
0xa0: {  	[sflag:s22] =	ssyncadd.s32 s4;
	_ =	sdelay $0x1  }
0xa1: {  	s23 =	simm.s32 $0x1B8B  }
0xa2: {  	_ =	swait.ge [sflag:s23], $0x1  }
0xa3: {  	[sflag:s23] =	ssyncset.done $0x0  }
0xa4: {  	s25 =	simm.s32 $0x1B8E;
	s24 =	sld [smem:$0x3FFE];
	[sflag:s23] =	ssyncadd.s32 $0xFFFFFFFF  }
0xa5: {  	s26 =	simm.s32 $execute0_lowered;
	[smem:$0x3FD2] =	sst s25  }
0xa6: {  	s5 =	sshll.u32 s26, $0x1;
	_ =	strace $0x80000049;
	[dreg:$0x1] =	wrdreg $0xFFFFFFFF  }
0xa7: {  	s28 =	simm.s32 $_size_execute0_lowered;
	s3 =	sadd.s32 s3, s5;
	[dreg:$0x0] =	wrdreg $0x0  }
0xa8: {  	s5 =	sshll.u32 s28, $0x1;
	[dreg:$0x2] =	wrdreg s3  }
0xa9: {  	[dreg:$0x3] =	wrdreg s5  }
0xaa: {  	[dreg:$0x4] =	wrdreg $0xC0  }
0xab: {  	_ =	task [dreg:s7], $0x5FFFF  }
0xac: {  	[dreg:$0x1] =	wrdreg $0xFFFFFFFF  }
0xad: {  	[dreg:$0x0] =	wrdreg $0x60  }
0xae: {  	[dreg:$0x2] =	wrdreg s2  }
0xaf: {  	[dreg:$0x3] =	wrdreg s24  }
0xb0: {  	[dreg:$0x4] =	wrdreg $0x0  }
0xb1: {  	[dreg:$0x5] =	wrdreg $0x9  }
0xb2: {  	_ =	task.clear_ibuf [dreg:s7], $0x6FFFF;
	_ =	strace $0x90000049  }
0xb3: {  	s29 =	simm.s32 $0x9;
	_ =	strace $0x8000004B  }
0xb4: {  	_ =	swait.ge [sflag:s29], $0x1  }
0xb5: {  	[sflag:s29] =	ssyncadd.s32 $0xFFFFFFFF  }
0xb6: {  	_ =	strace $0x9000004B  }
0xb7: {  	_ =	sfence  }
0xb8: {  	s30 =	sld [smem:$0x0];
	_ =	sdelay $0x2  }
0xb9: {  	s31 =	sshll.u32 s1, $0xD;
	s1 =	sshrl.u32 s1, $0x2  }
0xba: {  	s3 =	sand.u32 $0x4000, s31;
	s1 =	sadd.s32 s1, s30  }
0xbb: {  	s0 =	sor.u32 s3, s0;
	s1 =	sshll.u32 s1, $0x11  }
0xbc: {  	s0 =	sor.u32 s1, s0  }
0xbd: {  	s0 =	sadd.s32 $0x8F2B, s0  }
0xbe: {  	[sflag:s0] =	ssyncadd.remote.s32 $0x1  }
0xbf: {  	_ =	sfence.sel $0xFFFF  }
0xc0: {  	[dreg:$0x0] =	wrdreg $0xFFFFFFFF;
	(pc) =	sbr.abs _section_cstart, $3  }
0xc1: {  	[dreg:$0x1] =	wrdreg $0xFFFFFFFF  }
0xc2: {  	_ =	task.clear_ibuf [dreg:s7], $0x2FFFF;
	_ =	strace $0x9FFFFFFF  }
0xc3: {  	(tm) =	ssettm $0x7FFFFFFF  }
tec
execute0_lowered:
.L_overlay_start_1:
0x0: {  	(tag) =	ssettag $0x1  }
0x1: {  	s0 =	rddreg [dreg:$0x0]  }
0x2: {  	s5 =	rddreg [dreg:$0x1]  }
0x3: {  	s1 =	srdreg.scid;
	s3 =	rddreg [dreg:$0x2]  }
0x4: {  	s2 =	stileid.u32;
	s4 =	simm.s32 $0x0;
	s17 =	simm.s32 $0x3  }
0x5: {  	s18 =	simm.s32 $0x13C00;
	s19 =	simm.s32 $0x15000;
	s20 =	simm.s32 $0x80  }
0x6: {  	s21 =	simm.s32 $0x1A400;
	s22 =	simm.s32 $0x1;
	s23 =	simm.s32 $0x2  }
0x7: {  	s6 =	sand.u32 $0x1, s1;
	s1 =	rddreg [dreg:$0x3];
	s8 =	smul.u32 $0x13C00, s2  }
0x8: {  	[smem:$0x7FF] =	sst s4;
	s12 =	sadd.s32 $0x1000, s5;
	s26 =	smul.u32 $0x4F000, s2  }
0x9: {  	s13 =	sadd.s32 $0xB000, s5;
	s7 =	smul.u32 $0x13C000, s6;
	s28 =	sshll.u32 s6, $0x4  }
0xa: {  	_ =	strace $0x8000004A;
	s6 =	ssub.s32 $0x2, s6;
	s29 =	sor.u32 s2, s28  }
0xb: {  	s30 =	sshrl.u32 s26, $0x2;
	s31 =	sshrl.u32 s6, $0x1;
	s7 =	sadd.s32 s8, s7  }
0xc: {  	s10 =	smul.u32 $0x2800, s29;
	s15 =	ssub.s32 s6, s31;
	s7 =	sshrl.u32 s7, $0x3  }
0xd: {  	s15 =	smax.u32 s15, $0x1;
	s14 =	sadd.s32 s7, s5;
	s5 =	sadd.s32 s30, s3  }
0xe: {  	s16 =	sshrl.u32 s10, $0x3;
	s6 =	sadd.s32 $0x4000, s5;
	s7 =	sadd.s32 $0x8000, s5  }
0xf: {  	s8 =	sadd.s32 $0xC000, s5;
	s9 =	sadd.s32 $0x10000, s5;
	s10 =	sadd.s32 s12, s16  }
0x10: {  	s11 =	sadd.s32 s13, s16;
	s16 =	sadd.s32 $0x280, s16;
	s14 =	sadd.s32 $0x15000, s14  }
0x11: {  	v0 =	vimm.f32 $0.0e+00;
	s12 =	sadd.s32 s12, s16;
	s13 =	sadd.s32 s13, s16;
	s16 =	simm.s32 $0x16400  }
.LBB2_1:
0x12: {  	s24 =	simm.s32 $0x0;
	s25 =	simm.s32 $0x200  }
.LBB2_2:
0x13: {  	p0 =	sne.s32 s25, $0xFE00;
	[tilespmem:s24+$0x16470] =	vst v0  }
0x14: {  	[tilespmem:s24+$0x16400] =	vst v0  }
0x15: {  	[tilespmem:s24+$0x16410] =	vst v0  }
.Ltmp0:
0x16: {  	[tilespmem:s24+$0x16420] =	vst v0;
	(pc) =	sbr.rel @p0 .LBB2_2-.Ltmp0, $4  }
0x17: {  	[tilespmem:s24+$0x16430] =	vst v0  }
0x18: {  	[tilespmem:s24+$0x16440] =	vst v0  }
0x19: {  	[tilespmem:s24+$0x16450] =	vst v0  }
0x1a: {  	[tilespmem:s24+$0x16460] =	vst v0;
	s24 =	sshra.s32 s25, $0x2;
	s25 =	sadd.s32 $0x200, s25  }
0x1b: {  	[tilespmem:s24+$0x16470] =	vst v0  }
0x1c: {  	[tilespmem:s24+$0x16400] =	vst v0  }
0x1d: {  	[tilespmem:s24+$0x16410] =	vst v0  }
0x1e: {  	[tilespmem:s24+$0x16420] =	vst v0  }
0x1f: {  	[tilespmem:s24+$0x16430] =	vst v0  }
0x20: {  	[tilespmem:s24+$0x16440] =	vst v0  }
0x21: {  	[tilespmem:s24+$0x16450] =	vst v0  }
0x22: {  	[tilespmem:s24+$0x16460] =	vst v0  }
0x23: {  	[spmem:s5] =	stream.linear.scatter [tilespmem:s16], [sflag:$0x3], $0x4000, $0x38;
	[tilespmem:$0x1E400] =	vst v63  }
0x24: {  	_ =	swait.ge [sflag:s17], $0x4000  }
0x25: {  	[sflag:s17] =	ssyncset.done $0x0  }
0x26: {  	[sflag:s17] =	ssyncadd.s32 $0xFFFFC000  }
0x27: {  	[spmem:s6] =	stream.linear.scatter [tilespmem:s16], [sflag:$0x3], $0x4000, $0x38;
	[tilespmem:$0x1E400] =	vst v63  }
0x28: {  	_ =	swait.ge [sflag:s17], $0x4000  }
0x29: {  	[sflag:s17] =	ssyncset.done $0x0  }
0x2a: {  	[sflag:s17] =	ssyncadd.s32 $0xFFFFC000  }
0x2b: {  	[spmem:s7] =	stream.linear.scatter [tilespmem:s16], [sflag:$0x3], $0x4000, $0x38;
	[tilespmem:$0x1E400] =	vst v63  }
0x2c: {  	_ =	swait.ge [sflag:s17], $0x4000  }
0x2d: {  	[sflag:s17] =	ssyncset.done $0x0  }
0x2e: {  	[sflag:s17] =	ssyncadd.s32 $0xFFFFC000  }
0x2f: {  	[spmem:s8] =	stream.linear.scatter [tilespmem:s16], [sflag:$0x3], $0x4000, $0x38;
	[tilespmem:$0x1E400] =	vst v63  }
0x30: {  	_ =	swait.ge [sflag:s17], $0x4000  }
0x31: {  	[sflag:s17] =	ssyncset.done $0x0  }
0x32: {  	[sflag:s17] =	ssyncadd.s32 $0xFFFFC000  }
0x33: {  	[spmem:s9] =	stream.linear.scatter [tilespmem:s16], [sflag:$0x3], $0x3C00, $0x38;
	[tilespmem:$0x1E400] =	vst v63  }
0x34: {  	_ =	swait.ge [sflag:s17], $0x3C00  }
0x35: {  	[sflag:s17] =	ssyncset.done $0x0  }
0x36: {  	[sflag:s17] =	ssyncadd.s32 $0xFFFFC400  }
0x37: {  	s26 =	simm.s32 $0x0;
	[bflag:$0x0] =	sbarrier.arrive $0xFFFF  }
0x38: {  	[tilespmem:s18], [sflag:$0x3] =	stream.linear.gather [hbm4b:s10+s26], $0x1400, $0x38;
	[tilespmem:$0x1E400] =	vst v63  }
0x39: {  	_ =	swait.ge [sflag:s17], $0x1400  }
0x3a: {  	[sflag:s17] =	ssyncset.done $0x0  }
0x3b: {  	[sflag:s17] =	ssyncadd.s32 $0xFFFFEC00  }
0x3c: {  	[tilespmem:s19], [sflag:$0x3] =	stream.linear.gather [hbm4b:s11+s26], $0x1400, $0x38;
	[tilespmem:$0x1E400] =	vst v63  }
0x3d: {  	_ =	swait.ge [sflag:s17], $0x1400  }
0x3e: {  	[sflag:s17] =	ssyncset.done $0x0  }
0x3f: {  	s28 =	simm.s32 $0x13C00;
	[sflag:s17] =	ssyncadd.s32 $0xFFFFEC00  }
0x40: {  	[tilespmem:s16], [sflag:$0x1] =	stream.indirect.gather [hbm4b:s0+s20], $0x80, s28, s20, $0xb8;
	[tilespmem:$0x1E400] =	vst v63  }
0x41: {  	s29 =	simm.s32 $0x13C80  }
0x42: {  	[tilespmem:s21], [sflag:$0x2] =	stream.indirect.gather [hbm4b:s0+s20], $0x80, s29, s20, $0xb8;
	[tilespmem:$0x1E400] =	vst v63  }
0x43: {  	_ =	swait.ge [sflag:s22], $0x4000  }
0x44: {  	[sflag:s22] =	ssyncset.done $0x0  }
0x45: {  	s30 =	simm.s32 $0x15000;
	[sflag:s22] =	ssyncadd.s32 $0xFFFFC000  }
0x46: {  	[spmem:s3] =	stream.indirect.scatter.add.f32 [tilespmem:s16], [sflag:$0x3], $0x80, s30, s20, $0xb8;
	[tilespmem:$0x1E400] =	vst v63  }
0x47: {  	_ =	swait.ge [sflag:s17], $0x4000  }
0x48: {  	[sflag:s17] =	ssyncset.done $0x0  }
0x49: {  	[sflag:s17] =	ssyncadd.s32 $0xFFFFC000  }
0x4a: {  	_ =	swait.ge [sflag:s23], $0x4000  }
0x4b: {  	[sflag:s23] =	ssyncset.done $0x0  }
0x4c: {  	s31 =	simm.s32 $0x15080;
	[sflag:s23] =	ssyncadd.s32 $0xFFFFC000  }
0x4d: {  	[spmem:s3] =	stream.indirect.scatter.add.f32 [tilespmem:s21], [sflag:$0x3], $0x80, s31, s20, $0xb8;
	[tilespmem:$0x1E400] =	vst v63  }
0x4e: {  	_ =	swait.ge [sflag:s17], $0x4000  }
0x4f: {  	s25 =	simm.s32 $0x800;
	s24 =	simm.s32 $0x100;
	[sflag:s17] =	ssyncset.done $0x0  }
.LBB2_4:
0x50: {  	s26 =	sadd.s32 $0x13C00, s24  }
0x51: {  	[sflag:s17] =	ssyncadd.s32 $0xFFFFC000;
	s28 =	smov.u32 s25;
	s29 =	sadd.s32 $0x400, s25  }
0x52: {  	[tilespmem:s16], [sflag:$0x1] =	stream.indirect.gather [hbm4b:s0+s20], $0x80, s26, s20, $0xb8;
	[tilespmem:$0x1E400] =	vst v63  }
0x53: {  	p0 =	sne.s32 s25, $0x4C00;
	s25 =	sadd.s32 $0x13C80, s24  }
0x54: {  	[tilespmem:s21], [sflag:$0x2] =	stream.indirect.gather [hbm4b:s0+s20], $0x80, s25, s20, $0xb8;
	[tilespmem:$0x1E400] =	vst v63  }
0x55: {  	_ =	swait.ge [sflag:s22], $0x4000  }
0x56: {  	[sflag:s22] =	ssyncset.done $0x0  }
0x57: {  	s25 =	sadd.s32 $0x15000, s24;
	[sflag:s22] =	ssyncadd.s32 $0xFFFFC000  }
0x58: {  	[spmem:s3] =	stream.indirect.scatter.add.f32 [tilespmem:s16], [sflag:$0x3], $0x80, s25, s20, $0xb8;
	[tilespmem:$0x1E400] =	vst v63  }
0x59: {  	_ =	swait.ge [sflag:s17], $0x4000  }
0x5a: {  	[sflag:s17] =	ssyncset.done $0x0  }
0x5b: {  	[sflag:s17] =	ssyncadd.s32 $0xFFFFC000  }
0x5c: {  	_ =	swait.ge [sflag:s23], $0x4000  }
.Ltmp1:
0x5d: {  	[sflag:s23] =	ssyncset.done $0x0;
	(pc) =	sbr.rel @p0 .LBB2_4-.Ltmp1, $4  }
0x5e: {  	s24 =	sadd.s32 $0x15080, s24;
	[sflag:s23] =	ssyncadd.s32 $0xFFFFC000  }
0x5f: {  	[spmem:s3] =	stream.indirect.scatter.add.f32 [tilespmem:s21], [sflag:$0x3], $0x80, s24, s20, $0xb8;
	[tilespmem:$0x1E400] =	vst v63  }
0x60: {  	_ =	swait.ge [sflag:s17], $0x4000  }
0x61: {  	s25 =	smov.u32 s29;
	s24 =	sshra.s32 s28, $0x2;
	[sflag:s17] =	ssyncset.done $0x0  }
0x62: {  	s25 =	sadd.s32 $0x13C00, s24;
	[sflag:s17] =	ssyncadd.s32 $0xFFFFC000  }
0x63: {  	[tilespmem:s16], [sflag:$0x1] =	stream.indirect.gather [hbm4b:s0+s20], $0x80, s25, s20, $0xb8;
	[tilespmem:$0x1E400] =	vst v63  }
0x64: {  	s30 =	sadd.s32 $0x13C80, s24  }
0x65: {  	[tilespmem:s21], [sflag:$0x2] =	stream.indirect.gather [hbm4b:s0+s20], $0x80, s30, s20, $0xb8;
	[tilespmem:$0x1E400] =	vst v63  }
0x66: {  	_ =	swait.ge [sflag:s22], $0x4000  }
0x67: {  	[sflag:s22] =	ssyncset.done $0x0  }
0x68: {  	s31 =	sadd.s32 $0x15000, s24;
	[sflag:s22] =	ssyncadd.s32 $0xFFFFC000  }
0x69: {  	[spmem:s3] =	stream.indirect.scatter.add.f32 [tilespmem:s16], [sflag:$0x3], $0x80, s31, s20, $0xb8;
	[tilespmem:$0x1E400] =	vst v63  }
0x6a: {  	_ =	swait.ge [sflag:s17], $0x4000  }
0x6b: {  	[sflag:s17] =	ssyncset.done $0x0  }
0x6c: {  	[sflag:s17] =	ssyncadd.s32 $0xFFFFC000  }
0x6d: {  	_ =	swait.ge [sflag:s23], $0x4000  }
0x6e: {  	[sflag:s23] =	ssyncset.done $0x0  }
0x6f: {  	s25 =	sadd.s32 $0x15080, s24;
	[sflag:s23] =	ssyncadd.s32 $0xFFFFC000  }
0x70: {  	[spmem:s3] =	stream.indirect.scatter.add.f32 [tilespmem:s21], [sflag:$0x3], $0x80, s25, s20, $0xb8;
	[tilespmem:$0x1E400] =	vst v63  }
0x71: {  	_ =	swait.ge [sflag:s17], $0x4000  }
0x72: {  	[sflag:s17] =	ssyncset.done $0x0  }
0x73: {  	s26 =	simm.s32 $0x0;
	[sflag:s17] =	ssyncadd.s32 $0xFFFFC000  }
0x74: {  	[tilespmem:s18], [sflag:$0x3] =	stream.linear.gather [hbm4b:s12+s26], $0x1400, $0x38;
	[tilespmem:$0x1E400] =	vst v63  }
0x75: {  	_ =	swait.ge [sflag:s17], $0x1400  }
0x76: {  	[sflag:s17] =	ssyncset.done $0x0  }
0x77: {  	[sflag:s17] =	ssyncadd.s32 $0xFFFFEC00  }
0x78: {  	[tilespmem:s19], [sflag:$0x3] =	stream.linear.gather [hbm4b:s13+s26], $0x1400, $0x38;
	[tilespmem:$0x1E400] =	vst v63  }
0x79: {  	_ =	swait.ge [sflag:s17], $0x1400  }
0x7a: {  	[sflag:s17] =	ssyncset.done $0x0  }
0x7b: {  	s28 =	simm.s32 $0x13C00;
	[sflag:s17] =	ssyncadd.s32 $0xFFFFEC00  }
0x7c: {  	[tilespmem:s16], [sflag:$0x1] =	stream.indirect.gather [hbm4b:s0+s20], $0x80, s28, s20, $0xb8;
	[tilespmem:$0x1E400] =	vst v63  }
0x7d: {  	s29 =	simm.s32 $0x13C80  }
0x7e: {  	[tilespmem:s21], [sflag:$0x2] =	stream.indirect.gather [hbm4b:s0+s20], $0x80, s29, s20, $0xb8;
	[tilespmem:$0x1E400] =	vst v63  }
0x7f: {  	_ =	swait.ge [sflag:s22], $0x4000  }
0x80: {  	[sflag:s22] =	ssyncset.done $0x0  }
0x81: {  	s30 =	simm.s32 $0x15000;
	[sflag:s22] =	ssyncadd.s32 $0xFFFFC000  }
0x82: {  	[spmem:s3] =	stream.indirect.scatter.add.f32 [tilespmem:s16], [sflag:$0x3], $0x80, s30, s20, $0xb8;
	[tilespmem:$0x1E400] =	vst v63  }
0x83: {  	_ =	swait.ge [sflag:s17], $0x4000  }
0x84: {  	[sflag:s17] =	ssyncset.done $0x0  }
0x85: {  	[sflag:s17] =	ssyncadd.s32 $0xFFFFC000  }
0x86: {  	_ =	swait.ge [sflag:s23], $0x4000  }
0x87: {  	[sflag:s23] =	ssyncset.done $0x0  }
0x88: {  	s31 =	simm.s32 $0x15080;
	[sflag:s23] =	ssyncadd.s32 $0xFFFFC000  }
0x89: {  	[spmem:s3] =	stream.indirect.scatter.add.f32 [tilespmem:s21], [sflag:$0x3], $0x80, s31, s20, $0xb8;
	[tilespmem:$0x1E400] =	vst v63  }
0x8a: {  	_ =	swait.ge [sflag:s17], $0x4000  }
0x8b: {  	s24 =	simm.s32 $0x100;
	s25 =	simm.s32 $0x800;
	[sflag:s17] =	ssyncset.done $0x0  }
.LBB2_6:
0x8c: {  	s26 =	sadd.s32 $0x13C00, s24  }
0x8d: {  	[sflag:s17] =	ssyncadd.s32 $0xFFFFC000;
	s28 =	smov.u32 s25;
	s29 =	sadd.s32 $0x400, s25  }
0x8e: {  	[tilespmem:s16], [sflag:$0x1] =	stream.indirect.gather [hbm4b:s0+s20], $0x80, s26, s20, $0xb8;
	[tilespmem:$0x1E400] =	vst v63  }
0x8f: {  	p0 =	sne.s32 s25, $0x4C00;
	s25 =	sadd.s32 $0x13C80, s24  }
0x90: {  	[tilespmem:s21], [sflag:$0x2] =	stream.indirect.gather [hbm4b:s0+s20], $0x80, s25, s20, $0xb8;
	[tilespmem:$0x1E400] =	vst v63  }
0x91: {  	_ =	swait.ge [sflag:s22], $0x4000  }
0x92: {  	[sflag:s22] =	ssyncset.done $0x0  }
0x93: {  	s25 =	sadd.s32 $0x15000, s24;
	[sflag:s22] =	ssyncadd.s32 $0xFFFFC000  }
0x94: {  	[spmem:s3] =	stream.indirect.scatter.add.f32 [tilespmem:s16], [sflag:$0x3], $0x80, s25, s20, $0xb8;
	[tilespmem:$0x1E400] =	vst v63  }
0x95: {  	_ =	swait.ge [sflag:s17], $0x4000  }
0x96: {  	[sflag:s17] =	ssyncset.done $0x0  }
0x97: {  	[sflag:s17] =	ssyncadd.s32 $0xFFFFC000  }
0x98: {  	_ =	swait.ge [sflag:s23], $0x4000  }
.Ltmp2:
0x99: {  	[sflag:s23] =	ssyncset.done $0x0;
	(pc) =	sbr.rel @p0 .LBB2_6-.Ltmp2, $4  }
0x9a: {  	s24 =	sadd.s32 $0x15080, s24;
	[sflag:s23] =	ssyncadd.s32 $0xFFFFC000  }
0x9b: {  	[spmem:s3] =	stream.indirect.scatter.add.f32 [tilespmem:s21], [sflag:$0x3], $0x80, s24, s20, $0xb8;
	[tilespmem:$0x1E400] =	vst v63  }
0x9c: {  	_ =	swait.ge [sflag:s17], $0x4000  }
0x9d: {  	s25 =	smov.u32 s29;
	s24 =	sshra.s32 s28, $0x2;
	[sflag:s17] =	ssyncset.done $0x0  }
0x9e: {  	s25 =	sadd.s32 $0x13C00, s24;
	[sflag:s17] =	ssyncadd.s32 $0xFFFFC000  }
0x9f: {  	[tilespmem:s16], [sflag:$0x1] =	stream.indirect.gather [hbm4b:s0+s20], $0x80, s25, s20, $0xb8;
	[tilespmem:$0x1E400] =	vst v63  }
0xa0: {  	s26 =	sadd.s32 $0x13C80, s24  }
0xa1: {  	[tilespmem:s21], [sflag:$0x2] =	stream.indirect.gather [hbm4b:s0+s20], $0x80, s26, s20, $0xb8;
	[tilespmem:$0x1E400] =	vst v63  }
0xa2: {  	_ =	swait.ge [sflag:s22], $0x4000  }
0xa3: {  	[sflag:s22] =	ssyncset.done $0x0  }
0xa4: {  	s28 =	sadd.s32 $0x15000, s24;
	[sflag:s22] =	ssyncadd.s32 $0xFFFFC000  }
0xa5: {  	[spmem:s3] =	stream.indirect.scatter.add.f32 [tilespmem:s16], [sflag:$0x3], $0x80, s28, s20, $0xb8;
	[tilespmem:$0x1E400] =	vst v63  }
0xa6: {  	_ =	swait.ge [sflag:s17], $0x4000  }
0xa7: {  	[sflag:s17] =	ssyncset.done $0x0  }
0xa8: {  	[sflag:s17] =	ssyncadd.s32 $0xFFFFC000  }
0xa9: {  	_ =	swait.ge [sflag:s23], $0x4000  }
0xaa: {  	[sflag:s23] =	ssyncset.done $0x0  }
0xab: {  	s29 =	sadd.s32 $0x15080, s24;
	[sflag:s23] =	ssyncadd.s32 $0xFFFFC000  }
0xac: {  	[spmem:s3] =	stream.indirect.scatter.add.f32 [tilespmem:s21], [sflag:$0x3], $0x80, s29, s20, $0xb8;
	[tilespmem:$0x1E400] =	vst v63  }
0xad: {  	_ =	swait.ge [sflag:s17], $0x4000  }
0xae: {  	s30 =	sshll.u32 s2, $0x6;
	s4 =	sadd.s32 $0x1, s4;
	[sflag:s17] =	ssyncset.done $0x0  }
0xaf: {  	s31 =	sshrl.u32 s5, $0x3;
	p0 =	sne.s32 s4, s15;
	[sflag:s17] =	ssyncadd.s32 $0xFFFFC000  }
.Ltmp3:
0xb0: {  	s24 =	sor.u32 $0x1C03, s30;
	[bflag:$0x0] =	sbarrier.arrive $0xFFFF;
	(pc) =	sbr.rel @p0 .LBB2_1-.Ltmp3, $4  }
0xb1: {  	[hbm:s14], [sflag:s24] =	dma.local [spmem:s31], $0x2780  }
0xb2: {  	_ =	swait.ge [sflag:s17], $0x2780  }
0xb3: {  	[sflag:s17] =	ssyncset.done $0x0  }
0xb4: {  	[sflag:s17] =	ssyncadd.s32 $0xFFFFD880  }
0xb5: {  	_ =	sfence.sel $0x180000  }
0xb6: {  	[bflag:$0x0] =	sbarrier.arrive $0xFFFF  }
0xb7: {  	p0 =	sne.s32 s2, $0x0;
	_ =	strace $0x9000004A  }
0xb8: {  	s0 =	sadd.s32 @!p0 $0x100000, s1;
	[bflag:$0x2] =	sbarrier.arrive $0xFFFF  }
0xb9: {  	[sflag:s0] =	ssyncadd.tile.s32 @!p0 $0x1;
	_ =	shalt  }
.Lfunc_end2:
_tile_overlayer_lowered:
.L_overlay_start_2:
0xba: {  	(tag) =	ssettag $0x2  }
0xbb: {  	s0 =	rddreg [dreg:$0x0];
	s2 =	stileid.u32  }
0xbc: {  	s1 =	rddreg [dreg:$0x1];
	p0 =	sne.s32 s2, $0x0  }
0xbd: {  	s3 =	rddreg [dreg:$0x2];
	[bflag:$0x3] =	sbarrier.arrive $0xFFFF;
	s2 =	simm.s32 @!p0 $0x1C03  }
0xbe: {  	[timem:s3], [sflag:s2] =	dma.local @!p0 [hbm:s0], s1  }
0xbf: {  	s0 =	simm.s32 @!p0 $0x3  }
0xc0: {  	_ =	swait.ge @!p0 [sflag:s0], s1  }
0xc1: {  	s1 =	ssub.s32 @!p0 $0x0, s1;
	[sflag:s0] =	ssyncset.done @!p0 $0x0  }
0xc2: {  	[sflag:s0] =	ssyncadd.s32 @!p0 s1  }
0xc3: {  	[bflag:$0x3] =	sbarrier.arrive $0xFFFF  }
0xc4: {  	_ =	shalt  }

</sc_bundles>
